<compile_context>
chip_gen: v7x
topology: tpu7x:2x2x1
jax: 0.10.2.dev20260603
libtpu: 0.0.44.dev20260713+nightly
codegen_flags: <defaults>
</compile_context>

<pallas_src>
import jax
import jax.numpy as jnp
from jax import lax
from jax.experimental import pallas as pl
from jax.experimental.pallas import tpu as pltpu
from jax.experimental.pallas import tpu_sc as plsc

N = 10000
E = 320000
D = 128
NC = 2
NS = 16
NW = NC * NS
NP = 10240
EPW = 10240
EP = NW * EPW
BE = 160
NBA = EPW // BE
B = 128
NB = EPW // B
RPT = NP // NS
DW = 16


def _sc_agg():
    mesh = plsc.VectorSubcoreMesh(core_axis_name="c", subcore_axis_name="s")
    out_type = (jax.ShapeDtypeStruct((NP, D), jnp.float32),
                jax.ShapeDtypeStruct((NP, D), jnp.float32))
    scratch = [
        pltpu.VMEM((EPW,), jnp.int32),
        pltpu.VMEM((EPW,), jnp.int32),
        pltpu.VMEM((BE, D), jnp.float32),
        pltpu.VMEM_SHARED((NP, D), jnp.float32),
    ]

    def body(x_hbm, srcs, dsts, z_row, out_a, out_b, srcv, dstv, rows, acc):
        c = lax.axis_index("c")
        s = lax.axis_index("s")
        wid = c * NS + s
        pltpu.sync_copy(z_row, acc.at[pl.ds(s * RPT, RPT)])
        pltpu.sync_copy(srcs.at[pl.ds(wid * EPW, EPW)], srcv)
        pltpu.sync_copy(dsts.at[pl.ds(wid * EPW, EPW)], dstv)
        plsc.subcore_barrier()

        def step(j, carry):
            idx = pl.ds(j * BE, BE)
            pltpu.sync_copy(x_hbm.at[srcv.at[idx]], rows)
            pltpu.sync_copy(rows, acc.at[dstv.at[idx]], add=True)
            return carry

        lax.fori_loop(0, NBA, step, 0)
        plsc.subcore_barrier()

        @pl.when(c == 0)
        def _():
            pltpu.sync_copy(acc.at[pl.ds(s * RPT, RPT)],
                            out_a.at[pl.ds(s * RPT, RPT)])

        @pl.when(c == 1)
        def _():
            pltpu.sync_copy(acc.at[pl.ds(s * RPT, RPT)],
                            out_b.at[pl.ds(s * RPT, RPT)])

    return pl.kernel(body, out_type=out_type, mesh=mesh, scratch_types=scratch)


def _sc_deg():
    mesh = plsc.VectorSubcoreMesh(core_axis_name="c", subcore_axis_name="s")
    out_type = jax.ShapeDtypeStruct((NC, NP), jnp.float32)
    scratch = [
        pltpu.VMEM((EPW,), jnp.int32),
        pltpu.VMEM((B,), jnp.float32),
        pltpu.VMEM_SHARED((NP,), jnp.float32),
    ]

    def body(dsts, z_deg, ones_h, out_deg, dstv, onesv, dacc):
        c = lax.axis_index("c")
        s = lax.axis_index("s")
        wid = c * NS + s
        pltpu.sync_copy(z_deg, dacc.at[pl.ds(s * RPT, RPT)])
        pltpu.sync_copy(ones_h, onesv)
        pltpu.sync_copy(dsts.at[pl.ds(wid * EPW, EPW)], dstv)
        plsc.subcore_barrier()

        def step(j, carry):
            pltpu.sync_copy(onesv, dacc.at[dstv.at[pl.ds(j * B, B)]], add=True)
            return carry

        lax.fori_loop(0, NB, step, 0)
        plsc.subcore_barrier()
        pltpu.sync_copy(dacc.at[pl.ds(s * RPT, RPT)],
                        out_deg.at[c, pl.ds(s * RPT, RPT)])

    return pl.kernel(body, out_type=out_type, mesh=mesh, scratch_types=scratch)


_AGG = _sc_agg()
_DEG = _sc_deg()


def _dense(agg_a, agg_b, degp, xin, WlT, bl2d, WrT, relu):
    R = 1000

    def body(agga_ref, aggb_ref, degp_ref, x_ref, wl_ref, bl_ref, wr_ref, out_ref):
        agg = agga_ref[...] + aggb_ref[...]
        deg = degp_ref[0] + degp_ref[1]
        mean = agg / jnp.maximum(deg, 1.0)
        h = (jnp.dot(mean, wl_ref[...], preferred_element_type=jnp.float32)
             + bl_ref[...]
             + jnp.dot(x_ref[...], wr_ref[...], preferred_element_type=jnp.float32))
        if relu:
            h = jnp.maximum(h, 0.0)
        out_ref[...] = h

    return pl.pallas_call(
        body,
        grid=(N // R,),
        in_specs=[
            pl.BlockSpec((R, D), lambda i: (i, 0)),
            pl.BlockSpec((R, D), lambda i: (i, 0)),
            pl.BlockSpec((NC, R, 1), lambda i: (0, i, 0)),
            pl.BlockSpec((R, D), lambda i: (i, 0)),
            pl.BlockSpec((D, D), lambda i: (0, 0)),
            pl.BlockSpec((1, D), lambda i: (0, 0)),
            pl.BlockSpec((D, D), lambda i: (0, 0)),
        ],
        out_specs=pl.BlockSpec((R, D), lambda i: (i, 0)),
        out_shape=jax.ShapeDtypeStruct((N, D), jnp.float32),
    )(agg_a, agg_b, degp, xin, WlT, bl2d, WrT)


def kernel(x, edge_index, Wl1, bl1, Wr1, Wl2, bl2, Wr2):
    npad = EP - E
    src = jnp.concatenate(
        [edge_index[0].astype(jnp.int32), jnp.zeros((npad,), jnp.int32)]
    )
    dst = jnp.concatenate(
        [edge_index[1].astype(jnp.int32), jnp.full((npad,), N, jnp.int32)]
    )
    z_row = jnp.zeros((RPT, D), jnp.float32)
    z_deg = jnp.zeros((RPT,), jnp.float32)
    ones_h = jnp.ones((B,), jnp.float32)

    degp = _DEG(dst, z_deg, ones_h).reshape(NC, NP, 1)
    a1, b1 = _AGG(x, src, dst, z_row)
    h = _dense(a1, b1, degp, x, Wl1.T, bl1.reshape(1, D), Wr1.T, relu=True)
    a2, b2 = _AGG(h, src, dst, z_row)
    out = _dense(a2, b2, degp, h, Wl2.T, bl2.reshape(1, D), Wr2.T, relu=False)
    return out

# --- scband reference (transcript-rebuilt; emitter-appended) ---
"""Pipeline reference for scband-pure-sage-13151189860446 (READ-ONLY COPY).

The authoritative reference and input builder live on the scoring server;
editing this copy changes nothing except your own understanding.
"""

import jax, jax.numpy as jnp
import numpy as np

N_NODES = 10000
N_EDGES = 320000
D = 128


def setup_inputs(seed: int = 0) -> dict:
    key = jax.random.key(seed)
    ks = jax.random.split(key, 10)
    x = jax.random.normal(ks[0], (N_NODES, D), dtype=jnp.float32)
    edge_index = jax.random.randint(ks[1], (2, N_EDGES), 0, N_NODES, dtype=jnp.int64)
    s = 1.0 / np.sqrt(D)
    Wl1 = jax.random.uniform(ks[2], (D, D), jnp.float32, -s, s)
    bl1 = jax.random.uniform(ks[3], (D,), jnp.float32, -s, s)
    Wr1 = jax.random.uniform(ks[4], (D, D), jnp.float32, -s, s)
    Wl2 = jax.random.uniform(ks[5], (D, D), jnp.float32, -s, s)
    bl2 = jax.random.uniform(ks[6], (D,), jnp.float32, -s, s)
    Wr2 = jax.random.uniform(ks[7], (D, D), jnp.float32, -s, s)
    return {"x": x, "edge_index": edge_index, "Wl1": Wl1, "bl1": bl1, "Wr1": Wr1,
            "Wl2": Wl2, "bl2": bl2, "Wr2": Wr2}


def _sage_conv(x, edge_index, Wl, bl, Wr):
    # PyG SAGEConv with aggr='mean': out = lin_l(mean_{j in N(i)} x_j) + lin_r(x_i)
    src = edge_index[0]
    dst = edge_index[1]
    n = x.shape[0]
    msgs = jnp.take(x, src, axis=0)                      # gather
    summed = jax.ops.segment_sum(msgs, dst, num_segments=n)  # scatter-add
    deg = jax.ops.segment_sum(jnp.ones((msgs.shape[0],), dtype=x.dtype), dst, num_segments=n)
    mean = summed / jnp.clip(deg, 1.0, None)[:, None]
    return mean @ Wl.T + bl + x @ Wr.T


def reference(x, edge_index, Wl1, bl1, Wr1, Wl2, bl2, Wr2):
    # layer 1
    h = _sage_conv(x, edge_index, Wl1, bl1, Wr1)
    h = jax.nn.relu(h)
    # dropout p=0.5 is identity in eval mode
    # layer 2
    out = _sage_conv(h, edge_index, Wl2, bl2, Wr2)
    return out

if __name__ == "__main__":
    import jax
    _d = setup_inputs()
    print(jax.jit(kernel)(*tuple(_d.values())))

</pallas_src>

<mosaic_0001>
#map = affine_map<(d0, d1) -> (0, 0)>
#map1 = affine_map<(d0, d1) -> (0)>
module attributes {stable_mosaic.version = 14 : i64} {
  func.func @body(%arg0: i32, %arg1: i32, %arg2: memref<10000x128xf32, #tpu.memory_space<hbm>>, %arg3: memref<327680xi32, #tpu.memory_space<hbm>>, %arg4: memref<327680xi32, #tpu.memory_space<hbm>>, %arg5: memref<640x128xf32, #tpu.memory_space<hbm>>, %arg6: memref<10240x128xf32, #tpu.memory_space<hbm>>, %arg7: memref<10240x128xf32, #tpu.memory_space<hbm>>, %arg8: memref<10240xi32, #tpu.memory_space<vmem>>, %arg9: memref<10240xi32, #tpu.memory_space<vmem>>, %arg10: memref<160x128xf32, #tpu.memory_space<vmem>>, %arg11: memref<10240x128xf32, #tpu.memory_space<vmem_shared>>) attributes {dimension_semantics = [#tpu.dimension_semantics<core_parallel>, #tpu.dimension_semantics<subcore_parallel>], iteration_bounds = array<i64: 2, 16>, scalar_prefetch = 0 : i64, scratch_operands = 4 : i64, tpu.core_type = #tpu.core_type<sc_vector_subcore>, window_params = [{transform_indices = #map}, {transform_indices = #map1}, {transform_indices = #map1}, {transform_indices = #map}, {transform_indices = #map}, {transform_indices = #map}]} {
    %mul3A = arith.constant 16 : i32
    %mul3A_0 = arith.muli %arg0, %mul3A : i32
    %add3A = arith.addi %mul3A_0, %arg1 : i32
    %mul3A_1 = arith.constant 640 : i32
    %mul3A_2 = arith.muli %arg1, %mul3A_1 : i32
    "tpu.region"() ({
      %run_scoped3A = tpu.sem_alloc : memref<!tpu.dma_semaphore, #tpu.memory_space<semaphore_mem>>
      %dma_start3A = arith.constant 0 : i32
      %dma_start3A_20 = tpu.memref_slice %arg11[%mul3A_2, %dma_start3A] : memref<10240x128xf32, #tpu.memory_space<vmem_shared>> -> memref<640x128xf32, #tpu.memory_space<vmem_shared>>
      tpu.enqueue_dma source(%arg5 : memref<640x128xf32, #tpu.memory_space<hbm>>) target(%dma_start3A_20 : memref<640x128xf32, #tpu.memory_space<vmem_shared>>) target_semaphore(%run_scoped3A : memref<!tpu.dma_semaphore, #tpu.memory_space<semaphore_mem>>)
      %dma_wait3A = arith.constant 0 : i32
      %dma_wait3A_21 = tpu.memref_slice %arg11[%mul3A_2, %dma_wait3A] : memref<10240x128xf32, #tpu.memory_space<vmem_shared>> -> memref<640x128xf32, #tpu.memory_space<vmem_shared>>
      tpu.wait_dma2 semaphore(%run_scoped3A : memref<!tpu.dma_semaphore, #tpu.memory_space<semaphore_mem>>) src(%arg5 : memref<640x128xf32, #tpu.memory_space<hbm>>) dst(%dma_wait3A_21 : memref<640x128xf32, #tpu.memory_space<vmem_shared>>)
      tpu.yield
    }) : () -> ()
    %mul3A_3 = arith.constant 10240 : i32
    %mul3A_4 = arith.muli %add3A, %mul3A_3 : i32
    "tpu.region"() ({
      %run_scoped3A = tpu.sem_alloc : memref<!tpu.dma_semaphore, #tpu.memory_space<semaphore_mem>>
      %dma_start3A = tpu.memref_slice %arg3[%mul3A_4] : memref<327680xi32, #tpu.memory_space<hbm>> -> memref<10240xi32, #tpu.memory_space<hbm>>
      %dma_start3A_20 = tpu.memref_slice %arg3[%mul3A_4] : memref<327680xi32, #tpu.memory_space<hbm>> -> memref<10240xi32, #tpu.memory_space<hbm>>
      tpu.enqueue_dma source(%dma_start3A_20 : memref<10240xi32, #tpu.memory_space<hbm>>) target(%arg8 : memref<10240xi32, #tpu.memory_space<vmem>>) target_semaphore(%run_scoped3A : memref<!tpu.dma_semaphore, #tpu.memory_space<semaphore_mem>>)
      %dma_wait3A = tpu.memref_slice %arg3[%mul3A_4] : memref<327680xi32, #tpu.memory_space<hbm>> -> memref<10240xi32, #tpu.memory_space<hbm>>
      %dma_wait3A_21 = tpu.memref_slice %arg3[%mul3A_4] : memref<327680xi32, #tpu.memory_space<hbm>> -> memref<10240xi32, #tpu.memory_space<hbm>>
      tpu.wait_dma2 semaphore(%run_scoped3A : memref<!tpu.dma_semaphore, #tpu.memory_space<semaphore_mem>>) src(%dma_wait3A_21 : memref<10240xi32, #tpu.memory_space<hbm>>) dst(%arg8 : memref<10240xi32, #tpu.memory_space<vmem>>)
      tpu.yield
    }) : () -> ()
    %mul3A_5 = arith.constant 10240 : i32
    %mul3A_6 = arith.muli %add3A, %mul3A_5 : i32
    "tpu.region"() ({
      %run_scoped3A = tpu.sem_alloc : memref<!tpu.dma_semaphore, #tpu.memory_space<semaphore_mem>>
      %dma_start3A = tpu.memref_slice %arg4[%mul3A_6] : memref<327680xi32, #tpu.memory_space<hbm>> -> memref<10240xi32, #tpu.memory_space<hbm>>
      %dma_start3A_20 = tpu.memref_slice %arg4[%mul3A_6] : memref<327680xi32, #tpu.memory_space<hbm>> -> memref<10240xi32, #tpu.memory_space<hbm>>
      tpu.enqueue_dma source(%dma_start3A_20 : memref<10240xi32, #tpu.memory_space<hbm>>) target(%arg9 : memref<10240xi32, #tpu.memory_space<vmem>>) target_semaphore(%run_scoped3A : memref<!tpu.dma_semaphore, #tpu.memory_space<semaphore_mem>>)
      %dma_wait3A = tpu.memref_slice %arg4[%mul3A_6] : memref<327680xi32, #tpu.memory_space<hbm>> -> memref<10240xi32, #tpu.memory_space<hbm>>
      %dma_wait3A_21 = tpu.memref_slice %arg4[%mul3A_6] : memref<327680xi32, #tpu.memory_space<hbm>> -> memref<10240xi32, #tpu.memory_space<hbm>>
      tpu.wait_dma2 semaphore(%run_scoped3A : memref<!tpu.dma_semaphore, #tpu.memory_space<semaphore_mem>>) src(%dma_wait3A_21 : memref<10240xi32, #tpu.memory_space<hbm>>) dst(%arg9 : memref<10240xi32, #tpu.memory_space<vmem>>)
      tpu.yield
    }) : () -> ()
    %barrier3A = arith.constant 0 : index
    tpu.barrier barrier_id(%barrier3A)
    %scan3A = arith.constant 0 : i32
    %scan3A_7 = arith.constant 0 : i32
    %scan3A_8 = arith.constant 64 : i32
    %scan3A_9 = arith.addi %scan3A_7, %scan3A_8 : i32
    %scan3A_10 = arith.constant 1 : i32
    scf.for %scan3A_20 = %scan3A_7 to %scan3A_9 step %scan3A_10  : i32 {
      %mul3A_21 = arith.constant 160 : i32
      %mul3A_22 = arith.muli %scan3A_20, %mul3A_21 : i32
      "tpu.region"() ({
        %run_scoped3A = tpu.sem_alloc : memref<!tpu.dma_semaphore, #tpu.memory_space<semaphore_mem>>
        %dma_start3A = tpu.memref_slice %arg8[%mul3A_22] : memref<10240xi32, #tpu.memory_space<vmem>> -> memref<160xi32, #tpu.memory_space<vmem>>
        %dma_start3A_23 = arith.constant 0 : i32
        %dma_start3A_24 = arith.constant 0 : i32
        %dma_start3A_25 = tpu.memref_slice %arg2[%dma_start3A_23, %dma_start3A_24] : memref<10000x128xf32, #tpu.memory_space<hbm>> -> memref<10000x128xf32, #tpu.memory_space<hbm>>
        tpu.enqueue_indirect_dma source(%dma_start3A_25 : memref<10000x128xf32, #tpu.memory_space<hbm>>) target(%arg10 : memref<160x128xf32, #tpu.memory_space<vmem>>) offsets(%dma_start3A : memref<160xi32, #tpu.memory_space<vmem>>) semaphore(%run_scoped3A : memref<!tpu.dma_semaphore, #tpu.memory_space<semaphore_mem>>)
        %dma_wait3A = tpu.memref_slice %arg8[%mul3A_22] : memref<10240xi32, #tpu.memory_space<vmem>> -> memref<160xi32, #tpu.memory_space<vmem>>
        %dma_wait3A_26 = arith.constant 0 : i32
        %dma_wait3A_27 = arith.constant 0 : i32
        %dma_wait3A_28 = tpu.memref_slice %arg2[%dma_wait3A_26, %dma_wait3A_27] : memref<10000x128xf32, #tpu.memory_space<hbm>> -> memref<10000x128xf32, #tpu.memory_space<hbm>>
        tpu.wait_indirect_dma semaphore(%run_scoped3A : memref<!tpu.dma_semaphore, #tpu.memory_space<semaphore_mem>>) src(%dma_wait3A_28 : memref<10000x128xf32, #tpu.memory_space<hbm>>) dst(%arg10 : memref<160x128xf32, #tpu.memory_space<vmem>>)
        tpu.yield
      }) : () -> ()
      "tpu.region"() ({
        %run_scoped3A = tpu.sem_alloc : memref<!tpu.dma_semaphore, #tpu.memory_space<semaphore_mem>>
        %dma_start3A = tpu.memref_slice %arg9[%mul3A_22] : memref<10240xi32, #tpu.memory_space<vmem>> -> memref<160xi32, #tpu.memory_space<vmem>>
        %dma_start3A_23 = arith.constant 0 : i32
        %dma_start3A_24 = arith.constant 0 : i32
        %dma_start3A_25 = tpu.memref_slice %arg11[%dma_start3A_23, %dma_start3A_24] : memref<10240x128xf32, #tpu.memory_space<vmem_shared>> -> memref<10240x128xf32, #tpu.memory_space<vmem_shared>>
        tpu.enqueue_indirect_dma source(%arg10 : memref<160x128xf32, #tpu.memory_space<vmem>>) target(%dma_start3A_25 : memref<10240x128xf32, #tpu.memory_space<vmem_shared>>) offsets(%dma_start3A : memref<160xi32, #tpu.memory_space<vmem>>) semaphore(%run_scoped3A : memref<!tpu.dma_semaphore, #tpu.memory_space<semaphore_mem>>) {add = true}
        %dma_wait3A = tpu.memref_slice %arg9[%mul3A_22] : memref<10240xi32, #tpu.memory_space<vmem>> -> memref<160xi32, #tpu.memory_space<vmem>>
        %dma_wait3A_26 = arith.constant 0 : i32
        %dma_wait3A_27 = arith.constant 0 : i32
        %dma_wait3A_28 = tpu.memref_slice %arg11[%dma_wait3A_26, %dma_wait3A_27] : memref<10240x128xf32, #tpu.memory_space<vmem_shared>> -> memref<10240x128xf32, #tpu.memory_space<vmem_shared>>
        tpu.wait_indirect_dma semaphore(%run_scoped3A : memref<!tpu.dma_semaphore, #tpu.memory_space<semaphore_mem>>) src(%arg10 : memref<160x128xf32, #tpu.memory_space<vmem>>) dst(%dma_wait3A_28 : memref<10240x128xf32, #tpu.memory_space<vmem_shared>>)
        tpu.yield
      }) : () -> ()
    }
    %scan3A_11 = arith.constant 64 : i32
    %barrier3A_12 = arith.constant 0 : index
    tpu.barrier barrier_id(%barrier3A_12)
    %eq3A = arith.constant 0 : i32
    %eq3A_13 = arith.cmpi eq, %arg0, %eq3A : i32
    %convert_element_type3A = arith.extui %eq3A_13 : i1 to i32
    %cond3A = arith.constant 0 : i32
    %cond3A_14 = arith.cmpi ne, %convert_element_type3A, %cond3A : i32
    scf.if %cond3A_14 {
      %mul3A_20 = arith.constant 640 : i32
      %mul3A_21 = arith.muli %arg1, %mul3A_20 : i32
      %mul3A_22 = arith.constant 640 : i32
      %mul3A_23 = arith.muli %arg1, %mul3A_22 : i32
      "tpu.region"() ({
        %run_scoped3A = tpu.sem_alloc : memref<!tpu.dma_semaphore, #tpu.memory_space<semaphore_mem>>
        %dma_start3A = arith.constant 0 : i32
        %dma_start3A_24 = tpu.memref_slice %arg6[%mul3A_23, %dma_start3A] : memref<10240x128xf32, #tpu.memory_space<hbm>> -> memref<640x128xf32, #tpu.memory_space<hbm>>
        %dma_start3A_25 = arith.constant 0 : i32
        %dma_start3A_26 = tpu.memref_slice %arg11[%mul3A_21, %dma_start3A_25] : memref<10240x128xf32, #tpu.memory_space<vmem_shared>> -> memref<640x128xf32, #tpu.memory_space<vmem_shared>>
        tpu.enqueue_dma source(%dma_start3A_26 : memref<640x128xf32, #tpu.memory_space<vmem_shared>>) target(%dma_start3A_24 : memref<640x128xf32, #tpu.memory_space<hbm>>) target_semaphore(%run_scoped3A : memref<!tpu.dma_semaphore, #tpu.memory_space<semaphore_mem>>)
        %dma_wait3A = arith.constant 0 : i32
        %dma_wait3A_27 = tpu.memref_slice %arg6[%mul3A_23, %dma_wait3A] : memref<10240x128xf32, #tpu.memory_space<hbm>> -> memref<640x128xf32, #tpu.memory_space<hbm>>
        %dma_wait3A_28 = arith.constant 0 : i32
        %dma_wait3A_29 = tpu.memref_slice %arg11[%mul3A_21, %dma_wait3A_28] : memref<10240x128xf32, #tpu.memory_space<vmem_shared>> -> memref<640x128xf32, #tpu.memory_space<vmem_shared>>
        tpu.wait_dma2 semaphore(%run_scoped3A : memref<!tpu.dma_semaphore, #tpu.memory_space<semaphore_mem>>) src(%dma_wait3A_29 : memref<640x128xf32, #tpu.memory_space<vmem_shared>>) dst(%dma_wait3A_27 : memref<640x128xf32, #tpu.memory_space<hbm>>)
        tpu.yield
      }) : () -> ()
    } else {
    }
    %eq3A_15 = arith.constant 1 : i32
    %eq3A_16 = arith.cmpi eq, %arg0, %eq3A_15 : i32
    %convert_element_type3A_17 = arith.extui %eq3A_16 : i1 to i32
    %cond3A_18 = arith.constant 0 : i32
    %cond3A_19 = arith.cmpi ne, %convert_element_type3A_17, %cond3A_18 : i32
    scf.if %cond3A_19 {
      %mul3A_20 = arith.constant 640 : i32
      %mul3A_21 = arith.muli %arg1, %mul3A_20 : i32
      %mul3A_22 = arith.constant 640 : i32
      %mul3A_23 = arith.muli %arg1, %mul3A_22 : i32
      "tpu.region"() ({
        %run_scoped3A = tpu.sem_alloc : memref<!tpu.dma_semaphore, #tpu.memory_space<semaphore_mem>>
        %dma_start3A = arith.constant 0 : i32
        %dma_start3A_24 = tpu.memref_slice %arg7[%mul3A_23, %dma_start3A] : memref<10240x128xf32, #tpu.memory_space<hbm>> -> memref<640x128xf32, #tpu.memory_space<hbm>>
        %dma_start3A_25 = arith.constant 0 : i32
        %dma_start3A_26 = tpu.memref_slice %arg11[%mul3A_21, %dma_start3A_25] : memref<10240x128xf32, #tpu.memory_space<vmem_shared>> -> memref<640x128xf32, #tpu.memory_space<vmem_shared>>
        tpu.enqueue_dma source(%dma_start3A_26 : memref<640x128xf32, #tpu.memory_space<vmem_shared>>) target(%dma_start3A_24 : memref<640x128xf32, #tpu.memory_space<hbm>>) target_semaphore(%run_scoped3A : memref<!tpu.dma_semaphore, #tpu.memory_space<semaphore_mem>>)
        %dma_wait3A = arith.constant 0 : i32
        %dma_wait3A_27 = tpu.memref_slice %arg7[%mul3A_23, %dma_wait3A] : memref<10240x128xf32, #tpu.memory_space<hbm>> -> memref<640x128xf32, #tpu.memory_space<hbm>>
        %dma_wait3A_28 = arith.constant 0 : i32
        %dma_wait3A_29 = tpu.memref_slice %arg11[%mul3A_21, %dma_wait3A_28] : memref<10240x128xf32, #tpu.memory_space<vmem_shared>> -> memref<640x128xf32, #tpu.memory_space<vmem_shared>>
        tpu.wait_dma2 semaphore(%run_scoped3A : memref<!tpu.dma_semaphore, #tpu.memory_space<semaphore_mem>>) src(%dma_wait3A_29 : memref<640x128xf32, #tpu.memory_space<vmem_shared>>) dst(%dma_wait3A_27 : memref<640x128xf32, #tpu.memory_space<hbm>>)
        tpu.yield
      }) : () -> ()
    } else {
    }
    return
  }
}

#map = affine_map<(d0, d1) -> (0)>
#map1 = affine_map<(d0, d1) -> (0, 0)>
module attributes {stable_mosaic.version = 14 : i64} {
  func.func @body(%arg0: i32, %arg1: i32, %arg2: memref<327680xi32, #tpu.memory_space<hbm>>, %arg3: memref<640xf32, #tpu.memory_space<hbm>>, %arg4: memref<128xf32, #tpu.memory_space<hbm>>, %arg5: memref<2x10240xf32, #tpu.memory_space<hbm>>, %arg6: memref<10240xi32, #tpu.memory_space<vmem>>, %arg7: memref<128xf32, #tpu.memory_space<vmem>>, %arg8: memref<10240xf32, #tpu.memory_space<vmem_shared>>) attributes {dimension_semantics = [#tpu.dimension_semantics<core_parallel>, #tpu.dimension_semantics<subcore_parallel>], iteration_bounds = array<i64: 2, 16>, scalar_prefetch = 0 : i64, scratch_operands = 3 : i64, tpu.core_type = #tpu.core_type<sc_vector_subcore>, window_params = [{transform_indices = #map}, {transform_indices = #map}, {transform_indices = #map}, {transform_indices = #map1}]} {
    %mul3A = arith.constant 16 : i32
    %mul3A_0 = arith.muli %arg0, %mul3A : i32
    %add3A = arith.addi %mul3A_0, %arg1 : i32
    %mul3A_1 = arith.constant 640 : i32
    %mul3A_2 = arith.muli %arg1, %mul3A_1 : i32
    "tpu.region"() ({
      %run_scoped3A = tpu.sem_alloc : memref<!tpu.dma_semaphore, #tpu.memory_space<semaphore_mem>>
      %dma_start3A = tpu.memref_slice %arg8[%mul3A_2] : memref<10240xf32, #tpu.memory_space<vmem_shared>> -> memref<640xf32, #tpu.memory_space<vmem_shared>>
      tpu.enqueue_dma source(%arg3 : memref<640xf32, #tpu.memory_space<hbm>>) target(%dma_start3A : memref<640xf32, #tpu.memory_space<vmem_shared>>) target_semaphore(%run_scoped3A : memref<!tpu.dma_semaphore, #tpu.memory_space<semaphore_mem>>)
      %dma_wait3A = tpu.memref_slice %arg8[%mul3A_2] : memref<10240xf32, #tpu.memory_space<vmem_shared>> -> memref<640xf32, #tpu.memory_space<vmem_shared>>
      tpu.wait_dma2 semaphore(%run_scoped3A : memref<!tpu.dma_semaphore, #tpu.memory_space<semaphore_mem>>) src(%arg3 : memref<640xf32, #tpu.memory_space<hbm>>) dst(%dma_wait3A : memref<640xf32, #tpu.memory_space<vmem_shared>>)
      tpu.yield
    }) : () -> ()
    "tpu.region"() ({
      %run_scoped3A = tpu.sem_alloc : memref<!tpu.dma_semaphore, #tpu.memory_space<semaphore_mem>>
      tpu.enqueue_dma source(%arg4 : memref<128xf32, #tpu.memory_space<hbm>>) target(%arg7 : memref<128xf32, #tpu.memory_space<vmem>>) target_semaphore(%run_scoped3A : memref<!tpu.dma_semaphore, #tpu.memory_space<semaphore_mem>>)
      tpu.wait_dma2 semaphore(%run_scoped3A : memref<!tpu.dma_semaphore, #tpu.memory_space<semaphore_mem>>) src(%arg4 : memref<128xf32, #tpu.memory_space<hbm>>) dst(%arg7 : memref<128xf32, #tpu.memory_space<vmem>>)
      tpu.yield
    }) : () -> ()
    %mul3A_3 = arith.constant 10240 : i32
    %mul3A_4 = arith.muli %add3A, %mul3A_3 : i32
    "tpu.region"() ({
      %run_scoped3A = tpu.sem_alloc : memref<!tpu.dma_semaphore, #tpu.memory_space<semaphore_mem>>
      %dma_start3A = tpu.memref_slice %arg2[%mul3A_4] : memref<327680xi32, #tpu.memory_space<hbm>> -> memref<10240xi32, #tpu.memory_space<hbm>>
      %dma_start3A_15 = tpu.memref_slice %arg2[%mul3A_4] : memref<327680xi32, #tpu.memory_space<hbm>> -> memref<10240xi32, #tpu.memory_space<hbm>>
      tpu.enqueue_dma source(%dma_start3A_15 : memref<10240xi32, #tpu.memory_space<hbm>>) target(%arg6 : memref<10240xi32, #tpu.memory_space<vmem>>) target_semaphore(%run_scoped3A : memref<!tpu.dma_semaphore, #tpu.memory_space<semaphore_mem>>)
      %dma_wait3A = tpu.memref_slice %arg2[%mul3A_4] : memref<327680xi32, #tpu.memory_space<hbm>> -> memref<10240xi32, #tpu.memory_space<hbm>>
      %dma_wait3A_16 = tpu.memref_slice %arg2[%mul3A_4] : memref<327680xi32, #tpu.memory_space<hbm>> -> memref<10240xi32, #tpu.memory_space<hbm>>
      tpu.wait_dma2 semaphore(%run_scoped3A : memref<!tpu.dma_semaphore, #tpu.memory_space<semaphore_mem>>) src(%dma_wait3A_16 : memref<10240xi32, #tpu.memory_space<hbm>>) dst(%arg6 : memref<10240xi32, #tpu.memory_space<vmem>>)
      tpu.yield
    }) : () -> ()
    %barrier3A = arith.constant 0 : index
    tpu.barrier barrier_id(%barrier3A)
    %scan3A = arith.constant 0 : i32
    %scan3A_5 = arith.constant 0 : i32
    %scan3A_6 = arith.constant 80 : i32
    %scan3A_7 = arith.addi %scan3A_5, %scan3A_6 : i32
    %scan3A_8 = arith.constant 1 : i32
    scf.for %scan3A_15 = %scan3A_5 to %scan3A_7 step %scan3A_8  : i32 {
      %mul3A_16 = arith.constant 128 : i32
      %mul3A_17 = arith.muli %scan3A_15, %mul3A_16 : i32
      "tpu.region"() ({
        %run_scoped3A = tpu.sem_alloc : memref<!tpu.dma_semaphore, #tpu.memory_space<semaphore_mem>>
        %dma_start3A = tpu.memref_slice %arg6[%mul3A_17] : memref<10240xi32, #tpu.memory_space<vmem>> -> memref<128xi32, #tpu.memory_space<vmem>>
        %dma_start3A_18 = arith.constant 0 : i32
        %dma_start3A_19 = tpu.memref_slice %arg8[%dma_start3A_18] : memref<10240xf32, #tpu.memory_space<vmem_shared>> -> memref<10240xf32, #tpu.memory_space<vmem_shared>>
        tpu.enqueue_indirect_dma source(%arg7 : memref<128xf32, #tpu.memory_space<vmem>>) target(%dma_start3A_19 : memref<10240xf32, #tpu.memory_space<vmem_shared>>) offsets(%dma_start3A : memref<128xi32, #tpu.memory_space<vmem>>) semaphore(%run_scoped3A : memref<!tpu.dma_semaphore, #tpu.memory_space<semaphore_mem>>) {add = true}
        %dma_wait3A = tpu.memref_slice %arg6[%mul3A_17] : memref<10240xi32, #tpu.memory_space<vmem>> -> memref<128xi32, #tpu.memory_space<vmem>>
        %dma_wait3A_20 = arith.constant 0 : i32
        %dma_wait3A_21 = tpu.memref_slice %arg8[%dma_wait3A_20] : memref<10240xf32, #tpu.memory_space<vmem_shared>> -> memref<10240xf32, #tpu.memory_space<vmem_shared>>
        tpu.wait_indirect_dma semaphore(%run_scoped3A : memref<!tpu.dma_semaphore, #tpu.memory_space<semaphore_mem>>) src(%arg7 : memref<128xf32, #tpu.memory_space<vmem>>) dst(%dma_wait3A_21 : memref<10240xf32, #tpu.memory_space<vmem_shared>>)
        tpu.yield
      }) : () -> ()
    }
    %scan3A_9 = arith.constant 80 : i32
    %barrier3A_10 = arith.constant 0 : index
    tpu.barrier barrier_id(%barrier3A_10)
    %mul3A_11 = arith.constant 640 : i32
    %mul3A_12 = arith.muli %arg1, %mul3A_11 : i32
    %mul3A_13 = arith.constant 640 : i32
    %mul3A_14 = arith.muli %arg1, %mul3A_13 : i32
    "tpu.region"() ({
      %run_scoped3A = tpu.sem_alloc : memref<!tpu.dma_semaphore, #tpu.memory_space<semaphore_mem>>
      %dma_start3A = tpu.memref_slice %arg5[%arg0, %mul3A_14] : memref<2x10240xf32, #tpu.memory_space<hbm>> -> memref<1x640xf32, #tpu.memory_space<hbm>>
      %dma_start3A_15 = tpu.memref_squeeze %dma_start3A : memref<1x640xf32, #tpu.memory_space<hbm>> -> memref<640xf32, #tpu.memory_space<hbm>>
      %dma_start3A_16 = tpu.memref_slice %arg8[%mul3A_12] : memref<10240xf32, #tpu.memory_space<vmem_shared>> -> memref<640xf32, #tpu.memory_space<vmem_shared>>
      tpu.enqueue_dma source(%dma_start3A_16 : memref<640xf32, #tpu.memory_space<vmem_shared>>) target(%dma_start3A_15 : memref<640xf32, #tpu.memory_space<hbm>>) target_semaphore(%run_scoped3A : memref<!tpu.dma_semaphore, #tpu.memory_space<semaphore_mem>>)
      %dma_wait3A = tpu.memref_slice %arg5[%arg0, %mul3A_14] : memref<2x10240xf32, #tpu.memory_space<hbm>> -> memref<1x640xf32, #tpu.memory_space<hbm>>
      %dma_wait3A_17 = tpu.memref_squeeze %dma_wait3A : memref<1x640xf32, #tpu.memory_space<hbm>> -> memref<640xf32, #tpu.memory_space<hbm>>
      %dma_wait3A_18 = tpu.memref_slice %arg8[%mul3A_12] : memref<10240xf32, #tpu.memory_space<vmem_shared>> -> memref<640xf32, #tpu.memory_space<vmem_shared>>
      tpu.wait_dma2 semaphore(%run_scoped3A : memref<!tpu.dma_semaphore, #tpu.memory_space<semaphore_mem>>) src(%dma_wait3A_18 : memref<640xf32, #tpu.memory_space<vmem_shared>>) dst(%dma_wait3A_17 : memref<640xf32, #tpu.memory_space<hbm>>)
      tpu.yield
    }) : () -> ()
    return
  }
}

#map = affine_map<(d0, d1) -> (0, 0)>
#map1 = affine_map<(d0, d1) -> (0)>
module attributes {stable_mosaic.version = 14 : i64} {
  func.func @body(%arg0: i32, %arg1: i32, %arg2: memref<10000x128xf32, #tpu.memory_space<hbm>>, %arg3: memref<327680xi32, #tpu.memory_space<hbm>>, %arg4: memref<327680xi32, #tpu.memory_space<hbm>>, %arg5: memref<640x128xf32, #tpu.memory_space<hbm>>, %arg6: memref<10240x128xf32, #tpu.memory_space<hbm>>, %arg7: memref<10240x128xf32, #tpu.memory_space<hbm>>, %arg8: memref<10240xi32, #tpu.memory_space<vmem>>, %arg9: memref<10240xi32, #tpu.memory_space<vmem>>, %arg10: memref<160x128xf32, #tpu.memory_space<vmem>>, %arg11: memref<10240x128xf32, #tpu.memory_space<vmem_shared>>) attributes {dimension_semantics = [#tpu.dimension_semantics<core_parallel>, #tpu.dimension_semantics<subcore_parallel>], iteration_bounds = array<i64: 2, 16>, scalar_prefetch = 0 : i64, scratch_operands = 4 : i64, tpu.core_type = #tpu.core_type<sc_vector_subcore>, window_params = [{transform_indices = #map}, {transform_indices = #map1}, {transform_indices = #map1}, {transform_indices = #map}, {transform_indices = #map}, {transform_indices = #map}]} {
    %mul3A = arith.constant 16 : i32
    %mul3A_0 = arith.muli %arg0, %mul3A : i32
    %add3A = arith.addi %mul3A_0, %arg1 : i32
    %mul3A_1 = arith.constant 640 : i32
    %mul3A_2 = arith.muli %arg1, %mul3A_1 : i32
    "tpu.region"() ({
      %run_scoped3A = tpu.sem_alloc : memref<!tpu.dma_semaphore, #tpu.memory_space<semaphore_mem>>
      %dma_start3A = arith.constant 0 : i32
      %dma_start3A_20 = tpu.memref_slice %arg11[%mul3A_2, %dma_start3A] : memref<10240x128xf32, #tpu.memory_space<vmem_shared>> -> memref<640x128xf32, #tpu.memory_space<vmem_shared>>
      tpu.enqueue_dma source(%arg5 : memref<640x128xf32, #tpu.memory_space<hbm>>) target(%dma_start3A_20 : memref<640x128xf32, #tpu.memory_space<vmem_shared>>) target_semaphore(%run_scoped3A : memref<!tpu.dma_semaphore, #tpu.memory_space<semaphore_mem>>)
      %dma_wait3A = arith.constant 0 : i32
      %dma_wait3A_21 = tpu.memref_slice %arg11[%mul3A_2, %dma_wait3A] : memref<10240x128xf32, #tpu.memory_space<vmem_shared>> -> memref<640x128xf32, #tpu.memory_space<vmem_shared>>
      tpu.wait_dma2 semaphore(%run_scoped3A : memref<!tpu.dma_semaphore, #tpu.memory_space<semaphore_mem>>) src(%arg5 : memref<640x128xf32, #tpu.memory_space<hbm>>) dst(%dma_wait3A_21 : memref<640x128xf32, #tpu.memory_space<vmem_shared>>)
      tpu.yield
    }) : () -> ()
    %mul3A_3 = arith.constant 10240 : i32
    %mul3A_4 = arith.muli %add3A, %mul3A_3 : i32
    "tpu.region"() ({
      %run_scoped3A = tpu.sem_alloc : memref<!tpu.dma_semaphore, #tpu.memory_space<semaphore_mem>>
      %dma_start3A = tpu.memref_slice %arg3[%mul3A_4] : memref<327680xi32, #tpu.memory_space<hbm>> -> memref<10240xi32, #tpu.memory_space<hbm>>
      %dma_start3A_20 = tpu.memref_slice %arg3[%mul3A_4] : memref<327680xi32, #tpu.memory_space<hbm>> -> memref<10240xi32, #tpu.memory_space<hbm>>
      tpu.enqueue_dma source(%dma_start3A_20 : memref<10240xi32, #tpu.memory_space<hbm>>) target(%arg8 : memref<10240xi32, #tpu.memory_space<vmem>>) target_semaphore(%run_scoped3A : memref<!tpu.dma_semaphore, #tpu.memory_space<semaphore_mem>>)
      %dma_wait3A = tpu.memref_slice %arg3[%mul3A_4] : memref<327680xi32, #tpu.memory_space<hbm>> -> memref<10240xi32, #tpu.memory_space<hbm>>
      %dma_wait3A_21 = tpu.memref_slice %arg3[%mul3A_4] : memref<327680xi32, #tpu.memory_space<hbm>> -> memref<10240xi32, #tpu.memory_space<hbm>>
      tpu.wait_dma2 semaphore(%run_scoped3A : memref<!tpu.dma_semaphore, #tpu.memory_space<semaphore_mem>>) src(%dma_wait3A_21 : memref<10240xi32, #tpu.memory_space<hbm>>) dst(%arg8 : memref<10240xi32, #tpu.memory_space<vmem>>)
      tpu.yield
    }) : () -> ()
    %mul3A_5 = arith.constant 10240 : i32
    %mul3A_6 = arith.muli %add3A, %mul3A_5 : i32
    "tpu.region"() ({
      %run_scoped3A = tpu.sem_alloc : memref<!tpu.dma_semaphore, #tpu.memory_space<semaphore_mem>>
      %dma_start3A = tpu.memref_slice %arg4[%mul3A_6] : memref<327680xi32, #tpu.memory_space<hbm>> -> memref<10240xi32, #tpu.memory_space<hbm>>
      %dma_start3A_20 = tpu.memref_slice %arg4[%mul3A_6] : memref<327680xi32, #tpu.memory_space<hbm>> -> memref<10240xi32, #tpu.memory_space<hbm>>
      tpu.enqueue_dma source(%dma_start3A_20 : memref<10240xi32, #tpu.memory_space<hbm>>) target(%arg9 : memref<10240xi32, #tpu.memory_space<vmem>>) target_semaphore(%run_scoped3A : memref<!tpu.dma_semaphore, #tpu.memory_space<semaphore_mem>>)
      %dma_wait3A = tpu.memref_slice %arg4[%mul3A_6] : memref<327680xi32, #tpu.memory_space<hbm>> -> memref<10240xi32, #tpu.memory_space<hbm>>
      %dma_wait3A_21 = tpu.memref_slice %arg4[%mul3A_6] : memref<327680xi32, #tpu.memory_space<hbm>> -> memref<10240xi32, #tpu.memory_space<hbm>>
      tpu.wait_dma2 semaphore(%run_scoped3A : memref<!tpu.dma_semaphore, #tpu.memory_space<semaphore_mem>>) src(%dma_wait3A_21 : memref<10240xi32, #tpu.memory_space<hbm>>) dst(%arg9 : memref<10240xi32, #tpu.memory_space<vmem>>)
      tpu.yield
    }) : () -> ()
    %barrier3A = arith.constant 0 : index
    tpu.barrier barrier_id(%barrier3A)
    %scan3A = arith.constant 0 : i32
    %scan3A_7 = arith.constant 0 : i32
    %scan3A_8 = arith.constant 64 : i32
    %scan3A_9 = arith.addi %scan3A_7, %scan3A_8 : i32
    %scan3A_10 = arith.constant 1 : i32
    scf.for %scan3A_20 = %scan3A_7 to %scan3A_9 step %scan3A_10  : i32 {
      %mul3A_21 = arith.constant 160 : i32
      %mul3A_22 = arith.muli %scan3A_20, %mul3A_21 : i32
      "tpu.region"() ({
        %run_scoped3A = tpu.sem_alloc : memref<!tpu.dma_semaphore, #tpu.memory_space<semaphore_mem>>
        %dma_start3A = tpu.memref_slice %arg8[%mul3A_22] : memref<10240xi32, #tpu.memory_space<vmem>> -> memref<160xi32, #tpu.memory_space<vmem>>
        %dma_start3A_23 = arith.constant 0 : i32
        %dma_start3A_24 = arith.constant 0 : i32
        %dma_start3A_25 = tpu.memref_slice %arg2[%dma_start3A_23, %dma_start3A_24] : memref<10000x128xf32, #tpu.memory_space<hbm>> -> memref<10000x128xf32, #tpu.memory_space<hbm>>
        tpu.enqueue_indirect_dma source(%dma_start3A_25 : memref<10000x128xf32, #tpu.memory_space<hbm>>) target(%arg10 : memref<160x128xf32, #tpu.memory_space<vmem>>) offsets(%dma_start3A : memref<160xi32, #tpu.memory_space<vmem>>) semaphore(%run_scoped3A : memref<!tpu.dma_semaphore, #tpu.memory_space<semaphore_mem>>)
        %dma_wait3A = tpu.memref_slice %arg8[%mul3A_22] : memref<10240xi32, #tpu.memory_space<vmem>> -> memref<160xi32, #tpu.memory_space<vmem>>
        %dma_wait3A_26 = arith.constant 0 : i32
        %dma_wait3A_27 = arith.constant 0 : i32
        %dma_wait3A_28 = tpu.memref_slice %arg2[%dma_wait3A_26, %dma_wait3A_27] : memref<10000x128xf32, #tpu.memory_space<hbm>> -> memref<10000x128xf32, #tpu.memory_space<hbm>>
        tpu.wait_indirect_dma semaphore(%run_scoped3A : memref<!tpu.dma_semaphore, #tpu.memory_space<semaphore_mem>>) src(%dma_wait3A_28 : memref<10000x128xf32, #tpu.memory_space<hbm>>) dst(%arg10 : memref<160x128xf32, #tpu.memory_space<vmem>>)
        tpu.yield
      }) : () -> ()
      "tpu.region"() ({
        %run_scoped3A = tpu.sem_alloc : memref<!tpu.dma_semaphore, #tpu.memory_space<semaphore_mem>>
        %dma_start3A = tpu.memref_slice %arg9[%mul3A_22] : memref<10240xi32, #tpu.memory_space<vmem>> -> memref<160xi32, #tpu.memory_space<vmem>>
        %dma_start3A_23 = arith.constant 0 : i32
        %dma_start3A_24 = arith.constant 0 : i32
        %dma_start3A_25 = tpu.memref_slice %arg11[%dma_start3A_23, %dma_start3A_24] : memref<10240x128xf32, #tpu.memory_space<vmem_shared>> -> memref<10240x128xf32, #tpu.memory_space<vmem_shared>>
        tpu.enqueue_indirect_dma source(%arg10 : memref<160x128xf32, #tpu.memory_space<vmem>>) target(%dma_start3A_25 : memref<10240x128xf32, #tpu.memory_space<vmem_shared>>) offsets(%dma_start3A : memref<160xi32, #tpu.memory_space<vmem>>) semaphore(%run_scoped3A : memref<!tpu.dma_semaphore, #tpu.memory_space<semaphore_mem>>) {add = true}
        %dma_wait3A = tpu.memref_slice %arg9[%mul3A_22] : memref<10240xi32, #tpu.memory_space<vmem>> -> memref<160xi32, #tpu.memory_space<vmem>>
        %dma_wait3A_26 = arith.constant 0 : i32
        %dma_wait3A_27 = arith.constant 0 : i32
        %dma_wait3A_28 = tpu.memref_slice %arg11[%dma_wait3A_26, %dma_wait3A_27] : memref<10240x128xf32, #tpu.memory_space<vmem_shared>> -> memref<10240x128xf32, #tpu.memory_space<vmem_shared>>
        tpu.wait_indirect_dma semaphore(%run_scoped3A : memref<!tpu.dma_semaphore, #tpu.memory_space<semaphore_mem>>) src(%arg10 : memref<160x128xf32, #tpu.memory_space<vmem>>) dst(%dma_wait3A_28 : memref<10240x128xf32, #tpu.memory_space<vmem_shared>>)
        tpu.yield
      }) : () -> ()
    }
    %scan3A_11 = arith.constant 64 : i32
    %barrier3A_12 = arith.constant 0 : index
    tpu.barrier barrier_id(%barrier3A_12)
    %eq3A = arith.constant 0 : i32
    %eq3A_13 = arith.cmpi eq, %arg0, %eq3A : i32
    %convert_element_type3A = arith.extui %eq3A_13 : i1 to i32
    %cond3A = arith.constant 0 : i32
    %cond3A_14 = arith.cmpi ne, %convert_element_type3A, %cond3A : i32
    scf.if %cond3A_14 {
      %mul3A_20 = arith.constant 640 : i32
      %mul3A_21 = arith.muli %arg1, %mul3A_20 : i32
      %mul3A_22 = arith.constant 640 : i32
      %mul3A_23 = arith.muli %arg1, %mul3A_22 : i32
      "tpu.region"() ({
        %run_scoped3A = tpu.sem_alloc : memref<!tpu.dma_semaphore, #tpu.memory_space<semaphore_mem>>
        %dma_start3A = arith.constant 0 : i32
        %dma_start3A_24 = tpu.memref_slice %arg6[%mul3A_23, %dma_start3A] : memref<10240x128xf32, #tpu.memory_space<hbm>> -> memref<640x128xf32, #tpu.memory_space<hbm>>
        %dma_start3A_25 = arith.constant 0 : i32
        %dma_start3A_26 = tpu.memref_slice %arg11[%mul3A_21, %dma_start3A_25] : memref<10240x128xf32, #tpu.memory_space<vmem_shared>> -> memref<640x128xf32, #tpu.memory_space<vmem_shared>>
        tpu.enqueue_dma source(%dma_start3A_26 : memref<640x128xf32, #tpu.memory_space<vmem_shared>>) target(%dma_start3A_24 : memref<640x128xf32, #tpu.memory_space<hbm>>) target_semaphore(%run_scoped3A : memref<!tpu.dma_semaphore, #tpu.memory_space<semaphore_mem>>)
        %dma_wait3A = arith.constant 0 : i32
        %dma_wait3A_27 = tpu.memref_slice %arg6[%mul3A_23, %dma_wait3A] : memref<10240x128xf32, #tpu.memory_space<hbm>> -> memref<640x128xf32, #tpu.memory_space<hbm>>
        %dma_wait3A_28 = arith.constant 0 : i32
        %dma_wait3A_29 = tpu.memref_slice %arg11[%mul3A_21, %dma_wait3A_28] : memref<10240x128xf32, #tpu.memory_space<vmem_shared>> -> memref<640x128xf32, #tpu.memory_space<vmem_shared>>
        tpu.wait_dma2 semaphore(%run_scoped3A : memref<!tpu.dma_semaphore, #tpu.memory_space<semaphore_mem>>) src(%dma_wait3A_29 : memref<640x128xf32, #tpu.memory_space<vmem_shared>>) dst(%dma_wait3A_27 : memref<640x128xf32, #tpu.memory_space<hbm>>)
        tpu.yield
      }) : () -> ()
    } else {
    }
    %eq3A_15 = arith.constant 1 : i32
    %eq3A_16 = arith.cmpi eq, %arg0, %eq3A_15 : i32
    %convert_element_type3A_17 = arith.extui %eq3A_16 : i1 to i32
    %cond3A_18 = arith.constant 0 : i32
    %cond3A_19 = arith.cmpi ne, %convert_element_type3A_17, %cond3A_18 : i32
    scf.if %cond3A_19 {
      %mul3A_20 = arith.constant 640 : i32
      %mul3A_21 = arith.muli %arg1, %mul3A_20 : i32
      %mul3A_22 = arith.constant 640 : i32
      %mul3A_23 = arith.muli %arg1, %mul3A_22 : i32
      "tpu.region"() ({
        %run_scoped3A = tpu.sem_alloc : memref<!tpu.dma_semaphore, #tpu.memory_space<semaphore_mem>>
        %dma_start3A = arith.constant 0 : i32
        %dma_start3A_24 = tpu.memref_slice %arg7[%mul3A_23, %dma_start3A] : memref<10240x128xf32, #tpu.memory_space<hbm>> -> memref<640x128xf32, #tpu.memory_space<hbm>>
        %dma_start3A_25 = arith.constant 0 : i32
        %dma_start3A_26 = tpu.memref_slice %arg11[%mul3A_21, %dma_start3A_25] : memref<10240x128xf32, #tpu.memory_space<vmem_shared>> -> memref<640x128xf32, #tpu.memory_space<vmem_shared>>
        tpu.enqueue_dma source(%dma_start3A_26 : memref<640x128xf32, #tpu.memory_space<vmem_shared>>) target(%dma_start3A_24 : memref<640x128xf32, #tpu.memory_space<hbm>>) target_semaphore(%run_scoped3A : memref<!tpu.dma_semaphore, #tpu.memory_space<semaphore_mem>>)
        %dma_wait3A = arith.constant 0 : i32
        %dma_wait3A_27 = tpu.memref_slice %arg7[%mul3A_23, %dma_wait3A] : memref<10240x128xf32, #tpu.memory_space<hbm>> -> memref<640x128xf32, #tpu.memory_space<hbm>>
        %dma_wait3A_28 = arith.constant 0 : i32
        %dma_wait3A_29 = tpu.memref_slice %arg11[%mul3A_21, %dma_wait3A_28] : memref<10240x128xf32, #tpu.memory_space<vmem_shared>> -> memref<640x128xf32, #tpu.memory_space<vmem_shared>>
        tpu.wait_dma2 semaphore(%run_scoped3A : memref<!tpu.dma_semaphore, #tpu.memory_space<semaphore_mem>>) src(%dma_wait3A_29 : memref<640x128xf32, #tpu.memory_space<vmem_shared>>) dst(%dma_wait3A_27 : memref<640x128xf32, #tpu.memory_space<hbm>>)
        tpu.yield
      }) : () -> ()
    } else {
    }
    return
  }
}

module attributes {stable_mosaic.version = 14 : i64} {
  func.func @body(%arg0: i32, %arg1: memref<1000x128xf32, #tpu.memory_space<vmem>>, %arg2: memref<1000x128xf32, #tpu.memory_space<vmem>>, %arg3: memref<2x1000x1xf32, #tpu.memory_space<vmem>>, %arg4: memref<1000x128xf32, #tpu.memory_space<vmem>>, %arg5: memref<128x128xf32, #tpu.memory_space<vmem>>, %arg6: memref<1x128xf32, #tpu.memory_space<vmem>>, %arg7: memref<128x128xf32, #tpu.memory_space<vmem>>, %arg8: memref<1000x128xf32, #tpu.memory_space<vmem>>) attributes {dimension_semantics = [#tpu.dimension_semantics<arbitrary>], iteration_bounds = array<i64: 10>, scalar_prefetch = 0 : i64, scratch_operands = 0 : i64, tpu.core_type = #tpu.core_type<tc>, window_params = [{transform_indices = @transform_0, window_bounds = array<i64: 1000, 128>}, {transform_indices = @transform_1, window_bounds = array<i64: 1000, 128>}, {transform_indices = @transform_2, window_bounds = array<i64: 2, 1000, 1>}, {transform_indices = @transform_3, window_bounds = array<i64: 1000, 128>}, {pipeline_mode = #tpu.pipeline_mode<synchronous>, transform_indices = @transform_4, window_bounds = array<i64: 128, 128>}, {pipeline_mode = #tpu.pipeline_mode<synchronous>, transform_indices = @transform_5, window_bounds = array<i64: 1, 128>}, {pipeline_mode = #tpu.pipeline_mode<synchronous>, transform_indices = @transform_6, window_bounds = array<i64: 128, 128>}, {transform_indices = @transform_7, window_bounds = array<i64: 1000, 128>}]} {
    %get3A = arith.constant 0 : index
    %get3A_0 = arith.constant 0 : index
    %get3A_1 = vector.load %arg1[%get3A, %get3A_0] : memref<1000x128xf32, #tpu.memory_space<vmem>>, vector<1000x128xf32>
    %get3A_2 = arith.constant 0 : index
    %get3A_3 = arith.constant 0 : index
    %get3A_4 = vector.load %arg2[%get3A_2, %get3A_3] : memref<1000x128xf32, #tpu.memory_space<vmem>>, vector<1000x128xf32>
    %add3A = arith.addf %get3A_1, %get3A_4 : vector<1000x128xf32>
    %get3A_5 = arith.constant 0 : index
    %get3A_6 = arith.constant 0 : index
    %get3A_7 = arith.constant 0 : index
    %get3A_8 = vector.load %arg3[%get3A_5, %get3A_6, %get3A_7] : memref<2x1000x1xf32, #tpu.memory_space<vmem>>, vector<1x1000x1xf32>
    %get3A_9 = vector.shape_cast %get3A_8 : vector<1x1000x1xf32> to vector<1000x1xf32>
    %get3A_10 = arith.constant 1 : index
    %get3A_11 = arith.constant 0 : index
    %get3A_12 = arith.constant 0 : index
    %get3A_13 = vector.load %arg3[%get3A_10, %get3A_11, %get3A_12] : memref<2x1000x1xf32, #tpu.memory_space<vmem>>, vector<1x1000x1xf32>
    %get3A_14 = vector.shape_cast %get3A_13 : vector<1x1000x1xf32> to vector<1000x1xf32>
    %add3A_15 = arith.addf %get3A_9, %get3A_14 : vector<1000x1xf32>
    %max3A = arith.constant 1.000000e+00 : f32
    %max3A_16 = vector.broadcast %max3A : f32 to vector<1000x1xf32>
    %max3A_17 = arith.maximumf %add3A_15, %max3A_16 : vector<1000x1xf32>
    %div3A = vector.broadcast %max3A_17 : vector<1000x1xf32> to vector<1000x128xf32>
    %div3A_18 = arith.divf %add3A, %div3A : vector<1000x128xf32>
    %get3A_19 = arith.constant 0 : index
    %get3A_20 = arith.constant 0 : index
    %get3A_21 = vector.load %arg5[%get3A_19, %get3A_20] : memref<128x128xf32, #tpu.memory_space<vmem>>, vector<128x128xf32>
    %dot_general3A = arith.constant dense<0.000000e+00> : vector<1000x128xf32>
    %dot_general3A_22 = tpu.matmul %div3A_18, %get3A_21, %dot_general3A {dimension_numbers = #tpu.dot_dimension_numbers<[1], [0], [0], [1], [0, 0, 1, 1], [], []>, transpose_lhs_hint = false} : vector<1000x128xf32>, vector<128x128xf32>, vector<1000x128xf32> -> vector<1000x128xf32>
    %get3A_23 = arith.constant 0 : index
    %get3A_24 = arith.constant 0 : index
    %get3A_25 = vector.load %arg6[%get3A_23, %get3A_24] : memref<1x128xf32, #tpu.memory_space<vmem>>, vector<1x128xf32>
    %add3A_26 = vector.broadcast %get3A_25 : vector<1x128xf32> to vector<1000x128xf32>
    %add3A_27 = arith.addf %dot_general3A_22, %add3A_26 : vector<1000x128xf32>
    %get3A_28 = arith.constant 0 : index
    %get3A_29 = arith.constant 0 : index
    %get3A_30 = vector.load %arg4[%get3A_28, %get3A_29] : memref<1000x128xf32, #tpu.memory_space<vmem>>, vector<1000x128xf32>
    %get3A_31 = arith.constant 0 : index
    %get3A_32 = arith.constant 0 : index
    %get3A_33 = vector.load %arg7[%get3A_31, %get3A_32] : memref<128x128xf32, #tpu.memory_space<vmem>>, vector<128x128xf32>
    %dot_general3A_34 = arith.constant dense<0.000000e+00> : vector<1000x128xf32>
    %dot_general3A_35 = tpu.matmul %get3A_30, %get3A_33, %dot_general3A_34 {dimension_numbers = #tpu.dot_dimension_numbers<[1], [0], [0], [1], [0, 0, 1, 1], [], []>, transpose_lhs_hint = false} : vector<1000x128xf32>, vector<128x128xf32>, vector<1000x128xf32> -> vector<1000x128xf32>
    %add3A_36 = arith.addf %add3A_27, %dot_general3A_35 : vector<1000x128xf32>
    %max3A_37 = arith.constant 0.000000e+00 : f32
    %max3A_38 = vector.broadcast %max3A_37 : f32 to vector<1000x128xf32>
    %max3A_39 = arith.maximumf %add3A_36, %max3A_38 : vector<1000x128xf32>
    %swap3A = arith.constant 0 : index
    %swap3A_40 = arith.constant 0 : index
    %swap3A_41 = vector.load %arg8[%swap3A, %swap3A_40] : memref<1000x128xf32, #tpu.memory_space<vmem>>, vector<1000x128xf32>
    tpu.vector_store %arg8[%swap3A, %swap3A_40], %max3A_39 {strides = array<i32>} : memref<1000x128xf32, #tpu.memory_space<vmem>>, vector<1000x128xf32>,
    return
  }
  func.func @transform_0(%arg0: i32) -> (i32, i32) {
    %c0_i32 = arith.constant 0 : i32
    %c0_i32_0 = arith.constant 0 : i32
    return %arg0, %c0_i32 : i32, i32
  }
  func.func @transform_1(%arg0: i32) -> (i32, i32) {
    %c0_i32 = arith.constant 0 : i32
    %c0_i32_0 = arith.constant 0 : i32
    return %arg0, %c0_i32 : i32, i32
  }
  func.func @transform_2(%arg0: i32) -> (i32, i32, i32) {
    %c0_i32 = arith.constant 0 : i32
    %c0_i32_0 = arith.constant 0 : i32
    %c0_i32_1 = arith.constant 0 : i32
    return %c0_i32, %arg0, %c0_i32_0 : i32, i32, i32
  }
  func.func @transform_3(%arg0: i32) -> (i32, i32) {
    %c0_i32 = arith.constant 0 : i32
    %c0_i32_0 = arith.constant 0 : i32
    return %arg0, %c0_i32 : i32, i32
  }
  func.func @transform_4(%arg0: i32) -> (i32, i32) {
    %c0_i32 = arith.constant 0 : i32
    %c0_i32_0 = arith.constant 0 : i32
    %c0_i32_1 = arith.constant 0 : i32
    return %c0_i32, %c0_i32_0 : i32, i32
  }
  func.func @transform_5(%arg0: i32) -> (i32, i32) {
    %c0_i32 = arith.constant 0 : i32
    %c0_i32_0 = arith.constant 0 : i32
    %c0_i32_1 = arith.constant 0 : i32
    return %c0_i32, %c0_i32_0 : i32, i32
  }
  func.func @transform_6(%arg0: i32) -> (i32, i32) {
    %c0_i32 = arith.constant 0 : i32
    %c0_i32_0 = arith.constant 0 : i32
    %c0_i32_1 = arith.constant 0 : i32
    return %c0_i32, %c0_i32_0 : i32, i32
  }
  func.func @transform_7(%arg0: i32) -> (i32, i32) {
    %c0_i32 = arith.constant 0 : i32
    %c0_i32_0 = arith.constant 0 : i32
    return %arg0, %c0_i32 : i32, i32
  }
}

module attributes {stable_mosaic.version = 14 : i64} {
  func.func @body(%arg0: i32, %arg1: memref<1000x128xf32, #tpu.memory_space<vmem>>, %arg2: memref<1000x128xf32, #tpu.memory_space<vmem>>, %arg3: memref<2x1000x1xf32, #tpu.memory_space<vmem>>, %arg4: memref<1000x128xf32, #tpu.memory_space<vmem>>, %arg5: memref<128x128xf32, #tpu.memory_space<vmem>>, %arg6: memref<1x128xf32, #tpu.memory_space<vmem>>, %arg7: memref<128x128xf32, #tpu.memory_space<vmem>>, %arg8: memref<1000x128xf32, #tpu.memory_space<vmem>>) attributes {dimension_semantics = [#tpu.dimension_semantics<arbitrary>], iteration_bounds = array<i64: 10>, scalar_prefetch = 0 : i64, scratch_operands = 0 : i64, tpu.core_type = #tpu.core_type<tc>, window_params = [{transform_indices = @transform_0, window_bounds = array<i64: 1000, 128>}, {transform_indices = @transform_1, window_bounds = array<i64: 1000, 128>}, {transform_indices = @transform_2, window_bounds = array<i64: 2, 1000, 1>}, {transform_indices = @transform_3, window_bounds = array<i64: 1000, 128>}, {pipeline_mode = #tpu.pipeline_mode<synchronous>, transform_indices = @transform_4, window_bounds = array<i64: 128, 128>}, {pipeline_mode = #tpu.pipeline_mode<synchronous>, transform_indices = @transform_5, window_bounds = array<i64: 1, 128>}, {pipeline_mode = #tpu.pipeline_mode<synchronous>, transform_indices = @transform_6, window_bounds = array<i64: 128, 128>}, {transform_indices = @transform_7, window_bounds = array<i64: 1000, 128>}]} {
    %get3A = arith.constant 0 : index
    %get3A_0 = arith.constant 0 : index
    %get3A_1 = vector.load %arg1[%get3A, %get3A_0] : memref<1000x128xf32, #tpu.memory_space<vmem>>, vector<1000x128xf32>
    %get3A_2 = arith.constant 0 : index
    %get3A_3 = arith.constant 0 : index
    %get3A_4 = vector.load %arg2[%get3A_2, %get3A_3] : memref<1000x128xf32, #tpu.memory_space<vmem>>, vector<1000x128xf32>
    %add3A = arith.addf %get3A_1, %get3A_4 : vector<1000x128xf32>
    %get3A_5 = arith.constant 0 : index
    %get3A_6 = arith.constant 0 : index
    %get3A_7 = arith.constant 0 : index
    %get3A_8 = vector.load %arg3[%get3A_5, %get3A_6, %get3A_7] : memref<2x1000x1xf32, #tpu.memory_space<vmem>>, vector<1x1000x1xf32>
    %get3A_9 = vector.shape_cast %get3A_8 : vector<1x1000x1xf32> to vector<1000x1xf32>
    %get3A_10 = arith.constant 1 : index
    %get3A_11 = arith.constant 0 : index
    %get3A_12 = arith.constant 0 : index
    %get3A_13 = vector.load %arg3[%get3A_10, %get3A_11, %get3A_12] : memref<2x1000x1xf32, #tpu.memory_space<vmem>>, vector<1x1000x1xf32>
    %get3A_14 = vector.shape_cast %get3A_13 : vector<1x1000x1xf32> to vector<1000x1xf32>
    %add3A_15 = arith.addf %get3A_9, %get3A_14 : vector<1000x1xf32>
    %max3A = arith.constant 1.000000e+00 : f32
    %max3A_16 = vector.broadcast %max3A : f32 to vector<1000x1xf32>
    %max3A_17 = arith.maximumf %add3A_15, %max3A_16 : vector<1000x1xf32>
    %div3A = vector.broadcast %max3A_17 : vector<1000x1xf32> to vector<1000x128xf32>
    %div3A_18 = arith.divf %add3A, %div3A : vector<1000x128xf32>
    %get3A_19 = arith.constant 0 : index
    %get3A_20 = arith.constant 0 : index
    %get3A_21 = vector.load %arg5[%get3A_19, %get3A_20] : memref<128x128xf32, #tpu.memory_space<vmem>>, vector<128x128xf32>
    %dot_general3A = arith.constant dense<0.000000e+00> : vector<1000x128xf32>
    %dot_general3A_22 = tpu.matmul %div3A_18, %get3A_21, %dot_general3A {dimension_numbers = #tpu.dot_dimension_numbers<[1], [0], [0], [1], [0, 0, 1, 1], [], []>, transpose_lhs_hint = false} : vector<1000x128xf32>, vector<128x128xf32>, vector<1000x128xf32> -> vector<1000x128xf32>
    %get3A_23 = arith.constant 0 : index
    %get3A_24 = arith.constant 0 : index
    %get3A_25 = vector.load %arg6[%get3A_23, %get3A_24] : memref<1x128xf32, #tpu.memory_space<vmem>>, vector<1x128xf32>
    %add3A_26 = vector.broadcast %get3A_25 : vector<1x128xf32> to vector<1000x128xf32>
    %add3A_27 = arith.addf %dot_general3A_22, %add3A_26 : vector<1000x128xf32>
    %get3A_28 = arith.constant 0 : index
    %get3A_29 = arith.constant 0 : index
    %get3A_30 = vector.load %arg4[%get3A_28, %get3A_29] : memref<1000x128xf32, #tpu.memory_space<vmem>>, vector<1000x128xf32>
    %get3A_31 = arith.constant 0 : index
    %get3A_32 = arith.constant 0 : index
    %get3A_33 = vector.load %arg7[%get3A_31, %get3A_32] : memref<128x128xf32, #tpu.memory_space<vmem>>, vector<128x128xf32>
    %dot_general3A_34 = arith.constant dense<0.000000e+00> : vector<1000x128xf32>
    %dot_general3A_35 = tpu.matmul %get3A_30, %get3A_33, %dot_general3A_34 {dimension_numbers = #tpu.dot_dimension_numbers<[1], [0], [0], [1], [0, 0, 1, 1], [], []>, transpose_lhs_hint = false} : vector<1000x128xf32>, vector<128x128xf32>, vector<1000x128xf32> -> vector<1000x128xf32>
    %add3A_36 = arith.addf %add3A_27, %dot_general3A_35 : vector<1000x128xf32>
    %swap3A = arith.constant 0 : index
    %swap3A_37 = arith.constant 0 : index
    %swap3A_38 = vector.load %arg8[%swap3A, %swap3A_37] : memref<1000x128xf32, #tpu.memory_space<vmem>>, vector<1000x128xf32>
    tpu.vector_store %arg8[%swap3A, %swap3A_37], %add3A_36 {strides = array<i32>} : memref<1000x128xf32, #tpu.memory_space<vmem>>, vector<1000x128xf32>,
    return
  }
  func.func @transform_0(%arg0: i32) -> (i32, i32) {
    %c0_i32 = arith.constant 0 : i32
    %c0_i32_0 = arith.constant 0 : i32
    return %arg0, %c0_i32 : i32, i32
  }
  func.func @transform_1(%arg0: i32) -> (i32, i32) {
    %c0_i32 = arith.constant 0 : i32
    %c0_i32_0 = arith.constant 0 : i32
    return %arg0, %c0_i32 : i32, i32
  }
  func.func @transform_2(%arg0: i32) -> (i32, i32, i32) {
    %c0_i32 = arith.constant 0 : i32
    %c0_i32_0 = arith.constant 0 : i32
    %c0_i32_1 = arith.constant 0 : i32
    return %c0_i32, %arg0, %c0_i32_0 : i32, i32, i32
  }
  func.func @transform_3(%arg0: i32) -> (i32, i32) {
    %c0_i32 = arith.constant 0 : i32
    %c0_i32_0 = arith.constant 0 : i32
    return %arg0, %c0_i32 : i32, i32
  }
  func.func @transform_4(%arg0: i32) -> (i32, i32) {
    %c0_i32 = arith.constant 0 : i32
    %c0_i32_0 = arith.constant 0 : i32
    %c0_i32_1 = arith.constant 0 : i32
    return %c0_i32, %c0_i32_0 : i32, i32
  }
  func.func @transform_5(%arg0: i32) -> (i32, i32) {
    %c0_i32 = arith.constant 0 : i32
    %c0_i32_0 = arith.constant 0 : i32
    %c0_i32_1 = arith.constant 0 : i32
    return %c0_i32, %c0_i32_0 : i32, i32
  }
  func.func @transform_6(%arg0: i32) -> (i32, i32) {
    %c0_i32 = arith.constant 0 : i32
    %c0_i32_0 = arith.constant 0 : i32
    %c0_i32_1 = arith.constant 0 : i32
    return %c0_i32, %c0_i32_0 : i32, i32
  }
  func.func @transform_7(%arg0: i32) -> (i32, i32) {
    %c0_i32 = arith.constant 0 : i32
    %c0_i32_0 = arith.constant 0 : i32
    return %arg0, %c0_i32 : i32, i32
  }
}

</mosaic_0001>

<sc_bundles>
// kernel: kernel.10.cloned.1.call-start
scs
__scs_entry_jumppad:
0x0: {  	(pc) =	sbr.rel $0x88, $3  }
0x1: {  	(tag) =	ssettag $0x0;
	lr =	simm.s32 $0x1  }
0x2: {  	[smem:$0x3F99] =	sst lr;
	_ =	strace $0xD0000000  }
0x3: {  	_ = 	snop  }
0x4: {  	_ = 	snop  }
0x5: {  	_ = 	snop  }
0x6: {  	_ = 	snop  }
0x7: {  	_ = 	snop  }
__scs_overlays_trampoline_lowered:
0x8: {  	[smem:$0x3FA8] =	sst s0  }
0x9: {  	[smem:$0x3FA9] =	sst s1  }
0xa: {  	[smem:$0x3FAA] =	sst s2  }
0xb: {  	[smem:$0x3FAB] =	sst s3  }
0xc: {  	[smem:$0x3FAC] =	sst s4  }
0xd: {  	[smem:$0x3FAD] =	sst s5  }
0xe: {  	[smem:$0x3FAE] =	sst s6  }
0xf: {  	[smem:$0x3FAF] =	sst s7  }
0x10: {  	[smem:$0x3FB0] =	sst s8  }
0x11: {  	[smem:$0x3FB1] =	sst s9;
	s0 =	simm.s32 @!p0 $0x0  }
0x12: {  	s1 =	sld [smem:$0x3F97];
	s0 =	simm.s32 @p0 $0x1  }
0x13: {  	[smem:$0x3FB2] =	sst s0;
	s0 =	simm.s32 @!p1 $0x0  }
0x14: {  	s2 =	sld [smem:$0x3F96];
	s0 =	simm.s32 @p1 $0x1  }
0x15: {  	[smem:$0x3FB3] =	sst s0;
	s0 =	simm.s32 @!p2 $0x0  }
0x16: {  	s3 =	sld [smem:$0x3FDB];
	s0 =	simm.s32 @p2 $0x1  }
0x17: {  	s4 =	simm.s32 $0x1BF5;
	[smem:$0x3FB5] =	sst s0  }
0x18: {  	s0 =	sld [smem:$0x3F98];
	_ =	swait.ge [sflag:s4], $0x0  }
0x19: {  	s7 =	sld [smem:$0x3F99]  }
0x1a: {  	s8 =	sadd.s32 $0xFFFFE003, lr  }
0x1b: {  	s9 =	sadd.s32 $0xFFFFFEF7, lr;
	s5 =	simm.s32 $0xFFFFFFFF;
	p2 =	slt.u32 s8, $0xFFFFF086  }
0x1c: {  	p1 =	slt.u32 s9, $0xF7A;
	s5 =	simm.s32 @!p2 $0x0  }
0x1d: {  	s5 =	simm.s32 @p1 $0x1;
	p0 =	seq.s32 s7, s2  }
0x1e: {  	s7 =	smul.u32 @!p0 $0xF7A, s2;
	p2 =	seq.s32 @!p0 s5, $0x0  }
0x1f: {  	s9 =	smul.u32 $0xF7A, s1;
	s8 =	simm.s32 @!p0 $0x1BF5;
	p2 =	por !p2, p0  }
0x20: {  	[sflag:s8] =	ssyncset.s32 @!p0 $0xFFFFF086;
	s6 =	sadd.s32 @!p0 s3, s7;
	s7 =	simm.s32 @!p0 $0x108  }
0x21: {  	s3 =	sadd.s32 s3, s9;
	s6 =	sadd.s32 @!p0 $0x88, s6;
	s7 =	simm.s32 @p2 $0x1082  }
0x22: {  	[simem:s7], [sflag:s8] =	dma.local @!p0 [hbm:s6], $0xF7A  }
0x23: {  	s9 =	sor.u32 $0xD0000000, s2;
	s6 =	simm.s32 $0x108;
	_ =	swait.ge @!p0 [sflag:s8], $0x0  }
0x24: {  	s3 =	sadd.s32 $0x88, s3;
	s6 =	simm.s32 @!p1 $0x1082;
	[sflag:s4] =	ssyncset.s32 $0xFFFFF086  }
0x25: {  	[simem:s6], [sflag:s4] =	dma.local [hbm:s3], $0xF7A  }
0x26: {  	[smem:$0x3F99] =	sst s1;
	(tag) =	ssettag s2;
	_ =	strace s9  }
0x27: {  	s1 =	sld [smem:$0x3FA9]  }
0x28: {  	s2 =	sld [smem:$0x3FAA]  }
0x29: {  	s4 =	sld [smem:$0x3FAC]  }
0x2a: {  	p0 =	seq.s32 s5, $0x0;
	s5 =	sld [smem:$0x3FAD]  }
0x2b: {  	s6 =	sld [smem:$0x3FAE]  }
0x2c: {  	s7 =	sld [smem:$0x3FAF]  }
0x2d: {  	s3 =	simm.s32 $0x108;
	s8 =	sld [smem:$0x3FB0]  }
0x2e: {  	s3 =	simm.s32 @!p0 $0x1082;
	s9 =	sld [smem:$0x3FB1]  }
0x2f: {  	lr =	sadd.s32 s0, s3;
	s0 =	sld [smem:$0x3FA8]  }
0x30: {  	s3 =	sld [smem:$0x3FAB]  }
0x31: {  	[smem:$0x3FB4] =	sst s10  }
0x32: {  	s10 =	sld [smem:$0x3FB2];
	_ =	sdelay $0x3  }
0x33: {  	p0 =	seq.s32 s10, $0x1;
	s10 =	sld [smem:$0x3FB4];
	_ =	sdelay $0x3  }
0x34: {  	[smem:$0x3FB4] =	sst s10  }
0x35: {  	s10 =	sld [smem:$0x3FB3];
	_ =	sdelay $0x3  }
0x36: {  	p1 =	seq.s32 s10, $0x1;
	s10 =	sld [smem:$0x3FB4];
	_ =	sdelay $0x3  }
0x37: {  	[smem:$0x3FB4] =	sst s10  }
0x38: {  	s10 =	sld [smem:$0x3FB5]  }
0x39: {  	_ = 	snop;
	(pc) =	sbr.ind lr, $3  }
0x3a: {  	_ = 	snop  }
0x3b: {  	_ = 	snop  }
0x3c: {  	p2 =	seq.s32 s10, $0x1;
	s10 =	sld [smem:$0x3FB4]  }
0x3d: {  	_ =	shalt  }
0x3e: {  	_ =	shalt  }
0x3f: {  	_ =	shalt  }
0x40: {  	_ =	shalt  }
0x41: {  	_ =	shalt  }
0x42: {  	_ =	shalt  }
0x43: {  	_ =	shalt  }
0x44: {  	_ =	shalt  }
0x45: {  	_ =	shalt  }
0x46: {  	_ =	shalt  }
0x47: {  	_ =	shalt  }
0x48: {  	_ =	shalt  }
0x49: {  	_ =	shalt  }
0x4a: {  	_ =	shalt  }
0x4b: {  	_ =	shalt  }
0x4c: {  	_ =	shalt  }
0x4d: {  	_ =	shalt  }
0x4e: {  	_ =	shalt  }
0x4f: {  	_ =	shalt  }
0x50: {  	_ =	shalt  }
0x51: {  	_ =	shalt  }
0x52: {  	_ =	shalt  }
0x53: {  	_ =	shalt  }
0x54: {  	_ =	shalt  }
0x55: {  	_ =	shalt  }
0x56: {  	_ =	shalt  }
0x57: {  	_ =	shalt  }
0x58: {  	_ =	shalt  }
0x59: {  	_ =	shalt  }
0x5a: {  	_ =	shalt  }
0x5b: {  	_ =	shalt  }
0x5c: {  	_ =	shalt  }
0x5d: {  	_ =	shalt  }
0x5e: {  	_ =	shalt  }
0x5f: {  	_ =	shalt  }
0x60: {  	_ =	shalt  }
0x61: {  	_ =	shalt  }
0x62: {  	_ =	shalt  }
0x63: {  	_ =	shalt  }
0x64: {  	_ =	shalt  }
0x65: {  	_ =	shalt  }
0x66: {  	_ =	shalt  }
0x67: {  	_ =	shalt  }
0x68: {  	_ =	shalt  }
0x69: {  	_ =	shalt  }
0x6a: {  	_ =	shalt  }
0x6b: {  	_ =	shalt  }
0x6c: {  	_ =	shalt  }
0x6d: {  	_ =	shalt  }
0x6e: {  	_ =	shalt  }
0x6f: {  	_ =	shalt  }
0x70: {  	_ =	shalt  }
0x71: {  	_ =	shalt  }
0x72: {  	_ =	shalt  }
0x73: {  	_ =	shalt  }
0x74: {  	_ =	shalt  }
0x75: {  	_ =	shalt  }
0x76: {  	_ =	shalt  }
0x77: {  	_ =	shalt  }
0x78: {  	_ =	shalt  }
0x79: {  	_ =	shalt  }
0x7a: {  	_ =	shalt  }
0x7b: {  	_ =	shalt  }
0x7c: {  	_ =	shalt  }
0x7d: {  	_ =	shalt  }
0x7e: {  	_ =	shalt  }
0x7f: {  	_ =	shalt  }
0x80: {  	_ =	shalt  }
0x81: {  	_ =	shalt  }
0x82: {  	_ =	shalt  }
0x83: {  	_ =	shalt  }
0x84: {  	_ =	shalt  }
0x85: {  	_ =	shalt  }
0x86: {  	_ =	shalt  }
0x87: {  	_ =	shalt  }
.Lfunc_end0:
.L_simem_size_0:
called_computation.1_lowered:
.L_overlay_start_0:
0x88: {  	s2 =	sld [smem:$0x3FD9]  }
0x89: {  	s3 =	sld [smem:$0x3FFE];
	_ =	sdelay $0x1  }
0x8a: {  	s1 =	srdreg.scid  }
0x8b: {  	s0 =	sand.u32 $0x1, s1  }
0x8c: {  	s17 =	sshll.u32 s0, $0xA;
	s2 =	sadd.s32 s3, s2  }
0x8d: {  	s2 =	sadd.s32 s2, s17  }
0x8e: {  	[smem:$0x3FC0] =	sst s2  }
0x8f: {  	_ = 	snop  }
0x90: {  	s18 =	sld [smem:$0x3FC9];
	(tm) =	ssettm $0x1  }
0x91: {  	s19 =	sld [smem:$0x3FFB];
	_ =	sdelay $0x3  }
0x92: {  	_ =	strace s19  }
0x93: {  	s2 =	sld [smem:$0x3FFC];
	_ =	sdelay $0x3  }
0x94: {  	_ =	strace s2  }
0x95: {  	s2 =	sld [smem:$0x3FFD];
	_ =	sdelay $0x3  }
0x96: {  	_ =	strace s2  }
0x97: {  	_ =	strace $0x8FFFFFFF  }
0x98: {  	s20 =	sld [smem:$0x3FDB];
	_ =	sdelay $0x1  }
0x99: {  	s4 =	simm.s32 $_scs_section_size  }
0x9a: {  	s5 =	simm.s32 $_size__tile_overlayer_lowered;
	s6 =	simm.s32 $_tile_overlayer_lowered  }
0x9b: {  	s7 =	simm.s32 $0x1BFF;
	s21 =	sshll.u32 s6, $0x1;
	s4 =	sadd.s32 s4, s20  }
0x9c: {  	s22 =	simm.s32 $0x0;
	s5 =	sshll.u32 s5, $0x1;
	s6 =	sadd.s32 s21, s4  }
0x9d: {  	[timem:s22], [sflag:s7] =	dma.local [hbm:s6], s5  }
0x9e: {  	_ =	swait.ge [sflag:s7], s5  }
0x9f: {  	s5 =	ssub.s32 $0x0, s5;
	[sflag:s7] =	ssyncset.done $0x0  }
0xa0: {  	[sflag:s7] =	ssyncadd.s32 s5;
	_ =	sdelay $0x1  }
0xa1: {  	s23 =	simm.s32 $0x1B8B  }
0xa2: {  	_ =	swait.ge [sflag:s23], $0x1  }
0xa3: {  	[sflag:s23] =	ssyncset.done $0x0  }
0xa4: {  	[sflag:s23] =	ssyncadd.s32 $0xFFFFFFFF  }
0xa5: {  	s5 =	sld [smem:$0x0]  }
0xa6: {  	s6 =	sand.u32 $0xFFFFFFFE, s1  }
0xa7: {  	p0 =	sne.s32 s1, s6  }
0xa8: {  	s6 =	sshll.u32 @p0 s6, $0xE  }
0xa9: {  	s6 =	sadd.s32 @p0 $0x11B8D, s6;
	s7 =	sshll.u32 @p0 s5, $0x11  }
0xaa: {  	s6 =	sor.u32 @p0 s7, s6  }
0xab: {  	[sflag:s6] =	ssyncadd.remote.s32 @p0 $0x1;
	_ =	sdelay $0x1  }
0xac: {  	s6 =	simm.s32 @p0 $0x1B8D  }
0xad: {  	_ =	swait.eq @p0 [sflag:s6], $0x1  }
0xae: {  	[sflag:s6] =	ssyncadd.s32 @p0 $0xFFFFFFFF  }
0xaf: {  	s7 =	sshll.u32 @!p0 s1, $0xE  }
0xb0: {  	s7 =	sor.u32 @!p0 $0x4000, s7;
	s6 =	simm.s32 @!p0 $0x1B8D  }
0xb1: {  	s5 =	sshll.u32 @!p0 s5, $0x11;
	s7 =	sadd.s32 @!p0 $0x11B8D, s7;
	_ =	swait.eq @!p0 [sflag:s6], $0x1  }
0xb2: {  	s5 =	sor.u32 @!p0 s5, s7;
	[sflag:s6] =	ssyncadd.s32 @!p0 $0xFFFFFFFF  }
0xb3: {  	s25 =	simm.s32 $0x1B8E;
	s24 =	sld [smem:$0x3FFE];
	[sflag:s5] =	ssyncadd.remote.s32 @!p0 $0x1  }
0xb4: {  	s26 =	simm.s32 $execute0_lowered;
	[smem:$0x3FD2] =	sst s25  }
0xb5: {  	s6 =	sshll.u32 s26, $0x1;
	_ =	strace $0x80000049;
	[dreg:$0x1] =	wrdreg $0xFFFFFFFF  }
0xb6: {  	s28 =	simm.s32 $_size_execute0_lowered;
	s4 =	sadd.s32 s4, s6;
	[dreg:$0x0] =	wrdreg $0x0  }
0xb7: {  	s6 =	sshll.u32 s28, $0x1;
	[dreg:$0x2] =	wrdreg s4  }
0xb8: {  	[dreg:$0x3] =	wrdreg s6  }
0xb9: {  	[dreg:$0x4] =	wrdreg $0xC0  }
0xba: {  	_ =	task [dreg:s22], $0x5FFFF  }
0xbb: {  	[dreg:$0x1] =	wrdreg $0xFFFFFFFF  }
0xbc: {  	[dreg:$0x0] =	wrdreg $0x60  }
0xbd: {  	[dreg:$0x2] =	wrdreg s18  }
0xbe: {  	[dreg:$0x3] =	wrdreg s24  }
0xbf: {  	[dreg:$0x4] =	wrdreg $0xA0000  }
0xc0: {  	[dreg:$0x5] =	wrdreg $0xA  }
0xc1: {  	_ =	task.clear_ibuf [dreg:s22], $0x6FFFF;
	_ =	strace $0x90000049  }
0xc2: {  	s29 =	simm.s32 $0xA;
	_ =	strace $0x8000004B  }
0xc3: {  	_ =	swait.ge [sflag:s29], $0x1  }
0xc4: {  	[sflag:s29] =	ssyncadd.s32 $0xFFFFFFFF  }
0xc5: {  	_ =	strace $0x9000004B  }
0xc6: {  	_ =	sfence  }
0xc7: {  	s30 =	sld [smem:$0x0];
	_ =	sdelay $0x2  }
0xc8: {  	s31 =	sshll.u32 s1, $0xD;
	s1 =	sshrl.u32 s1, $0x2  }
0xc9: {  	s4 =	sand.u32 $0x4000, s31;
	s1 =	sadd.s32 s1, s30  }
0xca: {  	s0 =	sor.u32 s4, s0;
	s1 =	sshll.u32 s1, $0x11  }
0xcb: {  	s0 =	sor.u32 s1, s0  }
0xcc: {  	s0 =	sadd.s32 $0x8F2B, s0  }
0xcd: {  	[sflag:s0] =	ssyncadd.remote.s32 $0x1  }
0xce: {  	_ =	sfence.sel $0xFFFF  }
0xcf: {  	[dreg:$0x0] =	wrdreg $0xFFFFFFFF;
	(pc) =	sbr.abs _section_cstart, $3  }
0xd0: {  	[dreg:$0x1] =	wrdreg $0xFFFFFFFF  }
0xd1: {  	_ =	task.clear_ibuf [dreg:s22], $0x2FFFF;
	_ =	strace $0x9FFFFFFF  }
0xd2: {  	(tm) =	ssettm $0x7FFFFFFF  }
0xd3: {  	_ =	shalt  }
tec
execute0_lowered:
.L_overlay_start_1:
0x0: {  	(tag) =	ssettag $0x1  }
0x1: {  	s1 =	rddreg [dreg:$0x0]  }
0x2: {  	s8 =	rddreg [dreg:$0x1]  }
0x3: {  	s0 =	srdreg.scid;
	s3 =	rddreg [dreg:$0x2];
	s4 =	simm.s32 $0x0  }
0x4: {  	s15 =	simm.s32 $0x5000;
	s16 =	simm.s32 $0x0;
	s6 =	sand.u32 $0x1, s0  }
0x5: {  	s0 =	stileid.u32;
	[smem:$0x7FF] =	sst s4;
	s2 =	sshll.u32 s6, $0x4  }
0x6: {  	s7 =	ssub.s32 $0x2, s6;
	s9 =	smul.u32 $0x50000, s0;
	p0 =	seq.s32 s6, $0x1  }
0x7: {  	s31 =	sshll.u32 s0, $0x6;
	s13 =	smul.u32 $0x2800, s0;
	s5 =	sor.u32 s0, s2  }
0x8: {  	s2 =	rddreg [dreg:$0x3];
	_ =	strace $0x8000004A;
	s11 =	sshrl.u32 s7, $0x1  }
0x9: {  	s6 =	sor.u32 $0x1C01, s31;
	s5 =	smul.u32 $0x500, s5;
	s30 =	sshrl.u32 s9, $0x2  }
0xa: {  	s11 =	ssub.s32 s7, s11;
	s9 =	simm.s32 $0x41800;
	s12 =	sadd.s32 s30, s3  }
0xb: {  	s9 =	simm.s32 @!p0 $0x19800;
	s10 =	sadd.s32 s5, s8;
	s5 =	sadd.s32 $0x17000, s8  }
0xc: {  	s14 =	sadd.s32 s9, s8;
	s9 =	smax.u32 s11, $0x1;
	s11 =	sshrl.u32 s12, $0x3  }
0xd: {  	s12 =	simm.s32 $0x1;
	s7 =	sadd.s32 $0xD000, s10;
	s8 =	sadd.s32 $0x2C00, s10  }
0xe: {  	s10 =	sadd.s32 s14, s13;
	s13 =	simm.s32 $0x2800;
	s14 =	simm.s32 $0xA0  }
.LBB2_1:
0xf: {  	[spmem:s11], [sflag:s6] =	dma.local [hbm:s5], $0x2800  }
0x10: {  	_ =	swait.ge [sflag:s12], $0x2800  }
0x11: {  	[sflag:s12] =	ssyncset.done $0x0  }
0x12: {  	[sflag:s12] =	ssyncadd.s32 $0xFFFFD800  }
0x13: {  	[tilespmem:s4], [sflag:$0x1] =	stream.linear.gather [hbm4b:s7+s4], $0x2800, $0x38;
	[tilespmem:$0x1E000] =	vst v63  }
0x14: {  	_ =	swait.ge [sflag:s12], $0x2800  }
0x15: {  	[sflag:s12] =	ssyncset.done $0x0  }
0x16: {  	[sflag:s12] =	ssyncadd.s32 $0xFFFFD800  }
0x17: {  	[tilespmem:s13], [sflag:$0x1] =	stream.linear.gather [hbm4b:s8+s4], $0x2800, $0x38;
	[tilespmem:$0x1E000] =	vst v63  }
0x18: {  	_ =	swait.ge [sflag:s12], $0x2800  }
0x19: {  	[sflag:s12] =	ssyncset.done $0x0  }
0x1a: {  	[sflag:s12] =	ssyncadd.s32 $0xFFFFD800  }
0x1b: {  	s17 =	simm.s32 $0x0;
	[bflag:$0x0] =	sbarrier.arrive $0xFFFF  }
0x1c: {  	[tilespmem:s15], [sflag:$0x1] =	stream.indirect.gather [hbm4b:s1+s14], $0x80, s17, s14, $0xb8;
	[tilespmem:$0x1E000] =	vst v63  }
0x1d: {  	_ =	swait.ge [sflag:s12], $0x5000  }
0x1e: {  	[sflag:s12] =	ssyncset.done $0x0  }
0x1f: {  	s31 =	simm.s32 $0x2800;
	[sflag:s12] =	ssyncadd.s32 $0xFFFFB000  }
0x20: {  	[spmem:s3] =	stream.indirect.scatter.add.f32 [tilespmem:s15], [sflag:$0x1], $0x80, s31, s14, $0xb8;
	[tilespmem:$0x1E000] =	vst v63  }
0x21: {  	_ =	swait.ge [sflag:s12], $0x5000  }
0x22: {  	s18 =	simm.s32 $0x500;
	s17 =	simm.s32 $0x280;
	[sflag:s12] =	ssyncset.done $0x0  }
.LBB2_2:
0x23: {  	s19 =	sshra.s32 s17, $0x2  }
0x24: {  	[sflag:s12] =	ssyncadd.s32 $0xFFFFB000;
	s17 =	smov.u32 s18;
	s20 =	sadd.s32 $0x280, s18  }
0x25: {  	[tilespmem:s15], [sflag:$0x1] =	stream.indirect.gather [hbm4b:s1+s14], $0x80, s19, s14, $0xb8;
	[tilespmem:$0x1E000] =	vst v63  }
0x26: {  	p0 =	sne.s32 s18, $0x9D80;
	_ =	swait.ge [sflag:s12], $0x5000  }
.Ltmp0:
0x27: {  	[sflag:s12] =	ssyncset.done $0x0;
	(pc) =	sbr.rel @p0 .LBB2_2-.Ltmp0, $4  }
0x28: {  	s18 =	sadd.s32 $0x2800, s19;
	[sflag:s12] =	ssyncadd.s32 $0xFFFFB000  }
0x29: {  	[spmem:s3] =	stream.indirect.scatter.add.f32 [tilespmem:s15], [sflag:$0x1], $0x80, s18, s14, $0xb8;
	[tilespmem:$0x1E000] =	vst v63  }
0x2a: {  	_ =	swait.ge [sflag:s12], $0x5000  }
0x2b: {  	s18 =	smov.u32 s20;
	[sflag:s12] =	ssyncset.done $0x0  }
0x2c: {  	s17 =	sshra.s32 s17, $0x2;
	[sflag:s12] =	ssyncadd.s32 $0xFFFFB000  }
0x2d: {  	[tilespmem:s15], [sflag:$0x1] =	stream.indirect.gather [hbm4b:s1+s14], $0x80, s17, s14, $0xb8;
	[tilespmem:$0x1E000] =	vst v63  }
0x2e: {  	_ =	swait.ge [sflag:s12], $0x5000  }
0x2f: {  	[sflag:s12] =	ssyncset.done $0x0  }
0x30: {  	s17 =	sadd.s32 $0x2800, s17;
	[sflag:s12] =	ssyncadd.s32 $0xFFFFB000  }
0x31: {  	[spmem:s3] =	stream.indirect.scatter.add.f32 [tilespmem:s15], [sflag:$0x1], $0x80, s17, s14, $0xb8;
	[tilespmem:$0x1E000] =	vst v63  }
0x32: {  	_ =	swait.ge [sflag:s12], $0x5000  }
0x33: {  	s16 =	sadd.s32 $0x1, s16;
	[sflag:s12] =	ssyncset.done $0x0  }
0x34: {  	p0 =	sne.s32 s16, s9;
	[sflag:s12] =	ssyncadd.s32 $0xFFFFB000  }
.Ltmp1:
0x35: {  	[bflag:$0x0] =	sbarrier.arrive $0xFFFF;
	(pc) =	sbr.rel @p0 .LBB2_1-.Ltmp1, $4  }
0x36: {  	[hbm:s10], [sflag:s6] =	dma.local [spmem:s11], $0x2800  }
0x37: {  	_ =	swait.ge [sflag:s12], $0x2800  }
0x38: {  	[sflag:s12] =	ssyncset.done $0x0  }
0x39: {  	[sflag:s12] =	ssyncadd.s32 $0xFFFFD800  }
0x3a: {  	_ =	sfence.sel $0x180000  }
0x3b: {  	[bflag:$0x0] =	sbarrier.arrive $0xFFFF  }
0x3c: {  	p0 =	sne.s32 s0, $0x0;
	_ =	strace $0x9000004A  }
0x3d: {  	s0 =	sadd.s32 @!p0 $0x100000, s2;
	[bflag:$0x2] =	sbarrier.arrive $0xFFFF  }
0x3e: {  	[sflag:s0] =	ssyncadd.tile.s32 @!p0 $0x1;
	_ =	shalt  }
.Lfunc_end2:
_tile_overlayer_lowered:
.L_overlay_start_2:
0x3f: {  	(tag) =	ssettag $0x2  }
0x40: {  	s0 =	rddreg [dreg:$0x0];
	s2 =	stileid.u32  }
0x41: {  	s1 =	rddreg [dreg:$0x1];
	p0 =	sne.s32 s2, $0x0  }
0x42: {  	s3 =	rddreg [dreg:$0x2];
	[bflag:$0x3] =	sbarrier.arrive $0xFFFF;
	s2 =	simm.s32 @!p0 $0x1C01  }
0x43: {  	[timem:s3], [sflag:s2] =	dma.local @!p0 [hbm:s0], s1  }
0x44: {  	s0 =	simm.s32 @!p0 $0x1  }
0x45: {  	_ =	swait.ge @!p0 [sflag:s0], s1  }
0x46: {  	s1 =	ssub.s32 @!p0 $0x0, s1;
	[sflag:s0] =	ssyncset.done @!p0 $0x0  }
0x47: {  	[sflag:s0] =	ssyncadd.s32 @!p0 s1  }
0x48: {  	[bflag:$0x3] =	sbarrier.arrive $0xFFFF  }
0x49: {  	_ =	shalt  }

// kernel: kernel.13.cloned.1.call-start
scs
__scs_entry_jumppad:
0x0: {  	(pc) =	sbr.rel $0x88, $3  }
0x1: {  	(tag) =	ssettag $0x0;
	lr =	simm.s32 $0x1  }
0x2: {  	[smem:$0x3F99] =	sst lr;
	_ =	strace $0xD0000000  }
0x3: {  	_ = 	snop  }
0x4: {  	_ = 	snop  }
0x5: {  	_ = 	snop  }
0x6: {  	_ = 	snop  }
0x7: {  	_ = 	snop  }
__scs_overlays_trampoline_lowered:
0x8: {  	[smem:$0x3FA8] =	sst s0  }
0x9: {  	[smem:$0x3FA9] =	sst s1  }
0xa: {  	[smem:$0x3FAA] =	sst s2  }
0xb: {  	[smem:$0x3FAB] =	sst s3  }
0xc: {  	[smem:$0x3FAC] =	sst s4  }
0xd: {  	[smem:$0x3FAD] =	sst s5  }
0xe: {  	[smem:$0x3FAE] =	sst s6  }
0xf: {  	[smem:$0x3FAF] =	sst s7  }
0x10: {  	[smem:$0x3FB0] =	sst s8  }
0x11: {  	[smem:$0x3FB1] =	sst s9;
	s0 =	simm.s32 @!p0 $0x0  }
0x12: {  	s1 =	sld [smem:$0x3F97];
	s0 =	simm.s32 @p0 $0x1  }
0x13: {  	[smem:$0x3FB2] =	sst s0;
	s0 =	simm.s32 @!p1 $0x0  }
0x14: {  	s2 =	sld [smem:$0x3F96];
	s0 =	simm.s32 @p1 $0x1  }
0x15: {  	[smem:$0x3FB3] =	sst s0;
	s0 =	simm.s32 @!p2 $0x0  }
0x16: {  	s3 =	sld [smem:$0x3FDB];
	s0 =	simm.s32 @p2 $0x1  }
0x17: {  	s4 =	simm.s32 $0x1BF5;
	[smem:$0x3FB5] =	sst s0  }
0x18: {  	s0 =	sld [smem:$0x3F98];
	_ =	swait.ge [sflag:s4], $0x0  }
0x19: {  	s7 =	sld [smem:$0x3F99]  }
0x1a: {  	s8 =	sadd.s32 $0xFFFFE003, lr  }
0x1b: {  	s9 =	sadd.s32 $0xFFFFFEF7, lr;
	s5 =	simm.s32 $0xFFFFFFFF;
	p2 =	slt.u32 s8, $0xFFFFF086  }
0x1c: {  	p1 =	slt.u32 s9, $0xF7A;
	s5 =	simm.s32 @!p2 $0x0  }
0x1d: {  	s5 =	simm.s32 @p1 $0x1;
	p0 =	seq.s32 s7, s2  }
0x1e: {  	s7 =	smul.u32 @!p0 $0xF7A, s2;
	p2 =	seq.s32 @!p0 s5, $0x0  }
0x1f: {  	s9 =	smul.u32 $0xF7A, s1;
	s8 =	simm.s32 @!p0 $0x1BF5;
	p2 =	por !p2, p0  }
0x20: {  	[sflag:s8] =	ssyncset.s32 @!p0 $0xFFFFF086;
	s6 =	sadd.s32 @!p0 s3, s7;
	s7 =	simm.s32 @!p0 $0x108  }
0x21: {  	s3 =	sadd.s32 s3, s9;
	s6 =	sadd.s32 @!p0 $0x88, s6;
	s7 =	simm.s32 @p2 $0x1082  }
0x22: {  	[simem:s7], [sflag:s8] =	dma.local @!p0 [hbm:s6], $0xF7A  }
0x23: {  	s9 =	sor.u32 $0xD0000000, s2;
	s6 =	simm.s32 $0x108;
	_ =	swait.ge @!p0 [sflag:s8], $0x0  }
0x24: {  	s3 =	sadd.s32 $0x88, s3;
	s6 =	simm.s32 @!p1 $0x1082;
	[sflag:s4] =	ssyncset.s32 $0xFFFFF086  }
0x25: {  	[simem:s6], [sflag:s4] =	dma.local [hbm:s3], $0xF7A  }
0x26: {  	[smem:$0x3F99] =	sst s1;
	(tag) =	ssettag s2;
	_ =	strace s9  }
0x27: {  	s1 =	sld [smem:$0x3FA9]  }
0x28: {  	s2 =	sld [smem:$0x3FAA]  }
0x29: {  	s4 =	sld [smem:$0x3FAC]  }
0x2a: {  	p0 =	seq.s32 s5, $0x0;
	s5 =	sld [smem:$0x3FAD]  }
0x2b: {  	s6 =	sld [smem:$0x3FAE]  }
0x2c: {  	s7 =	sld [smem:$0x3FAF]  }
0x2d: {  	s3 =	simm.s32 $0x108;
	s8 =	sld [smem:$0x3FB0]  }
0x2e: {  	s3 =	simm.s32 @!p0 $0x1082;
	s9 =	sld [smem:$0x3FB1]  }
0x2f: {  	lr =	sadd.s32 s0, s3;
	s0 =	sld [smem:$0x3FA8]  }
0x30: {  	s3 =	sld [smem:$0x3FAB]  }
0x31: {  	[smem:$0x3FB4] =	sst s10  }
0x32: {  	s10 =	sld [smem:$0x3FB2];
	_ =	sdelay $0x3  }
0x33: {  	p0 =	seq.s32 s10, $0x1;
	s10 =	sld [smem:$0x3FB4];
	_ =	sdelay $0x3  }
0x34: {  	[smem:$0x3FB4] =	sst s10  }
0x35: {  	s10 =	sld [smem:$0x3FB3];
	_ =	sdelay $0x3  }
0x36: {  	p1 =	seq.s32 s10, $0x1;
	s10 =	sld [smem:$0x3FB4];
	_ =	sdelay $0x3  }
0x37: {  	[smem:$0x3FB4] =	sst s10  }
0x38: {  	s10 =	sld [smem:$0x3FB5]  }
0x39: {  	_ = 	snop;
	(pc) =	sbr.ind lr, $3  }
0x3a: {  	_ = 	snop  }
0x3b: {  	_ = 	snop  }
0x3c: {  	p2 =	seq.s32 s10, $0x1;
	s10 =	sld [smem:$0x3FB4]  }
0x3d: {  	_ =	shalt  }
0x3e: {  	_ =	shalt  }
0x3f: {  	_ =	shalt  }
0x40: {  	_ =	shalt  }
0x41: {  	_ =	shalt  }
0x42: {  	_ =	shalt  }
0x43: {  	_ =	shalt  }
0x44: {  	_ =	shalt  }
0x45: {  	_ =	shalt  }
0x46: {  	_ =	shalt  }
0x47: {  	_ =	shalt  }
0x48: {  	_ =	shalt  }
0x49: {  	_ =	shalt  }
0x4a: {  	_ =	shalt  }
0x4b: {  	_ =	shalt  }
0x4c: {  	_ =	shalt  }
0x4d: {  	_ =	shalt  }
0x4e: {  	_ =	shalt  }
0x4f: {  	_ =	shalt  }
0x50: {  	_ =	shalt  }
0x51: {  	_ =	shalt  }
0x52: {  	_ =	shalt  }
0x53: {  	_ =	shalt  }
0x54: {  	_ =	shalt  }
0x55: {  	_ =	shalt  }
0x56: {  	_ =	shalt  }
0x57: {  	_ =	shalt  }
0x58: {  	_ =	shalt  }
0x59: {  	_ =	shalt  }
0x5a: {  	_ =	shalt  }
0x5b: {  	_ =	shalt  }
0x5c: {  	_ =	shalt  }
0x5d: {  	_ =	shalt  }
0x5e: {  	_ =	shalt  }
0x5f: {  	_ =	shalt  }
0x60: {  	_ =	shalt  }
0x61: {  	_ =	shalt  }
0x62: {  	_ =	shalt  }
0x63: {  	_ =	shalt  }
0x64: {  	_ =	shalt  }
0x65: {  	_ =	shalt  }
0x66: {  	_ =	shalt  }
0x67: {  	_ =	shalt  }
0x68: {  	_ =	shalt  }
0x69: {  	_ =	shalt  }
0x6a: {  	_ =	shalt  }
0x6b: {  	_ =	shalt  }
0x6c: {  	_ =	shalt  }
0x6d: {  	_ =	shalt  }
0x6e: {  	_ =	shalt  }
0x6f: {  	_ =	shalt  }
0x70: {  	_ =	shalt  }
0x71: {  	_ =	shalt  }
0x72: {  	_ =	shalt  }
0x73: {  	_ =	shalt  }
0x74: {  	_ =	shalt  }
0x75: {  	_ =	shalt  }
0x76: {  	_ =	shalt  }
0x77: {  	_ =	shalt  }
0x78: {  	_ =	shalt  }
0x79: {  	_ =	shalt  }
0x7a: {  	_ =	shalt  }
0x7b: {  	_ =	shalt  }
0x7c: {  	_ =	shalt  }
0x7d: {  	_ =	shalt  }
0x7e: {  	_ =	shalt  }
0x7f: {  	_ =	shalt  }
0x80: {  	_ =	shalt  }
0x81: {  	_ =	shalt  }
0x82: {  	_ =	shalt  }
0x83: {  	_ =	shalt  }
0x84: {  	_ =	shalt  }
0x85: {  	_ =	shalt  }
0x86: {  	_ =	shalt  }
0x87: {  	_ =	shalt  }
.Lfunc_end0:
.L_simem_size_0:
called_computation.2_lowered:
.L_overlay_start_0:
0x88: {  	s2 =	sld [smem:$0x3FD9]  }
0x89: {  	s3 =	sld [smem:$0x3FFE];
	_ =	sdelay $0x1  }
0x8a: {  	s1 =	srdreg.scid  }
0x8b: {  	s0 =	sand.u32 $0x1, s1  }
0x8c: {  	s17 =	sshll.u32 s0, $0xA;
	s2 =	sadd.s32 s3, s2  }
0x8d: {  	s2 =	sadd.s32 s2, s17  }
0x8e: {  	[smem:$0x3FC0] =	sst s2  }
0x8f: {  	_ = 	snop  }
0x90: {  	s2 =	sld [smem:$0x3FD0];
	(tm) =	ssettm $0x1  }
0x91: {  	s18 =	sld [smem:$0x3FFB];
	_ =	sdelay $0x3  }
0x92: {  	_ =	strace s18  }
0x93: {  	s3 =	sld [smem:$0x3FFC];
	_ =	sdelay $0x3  }
0x94: {  	_ =	strace s3  }
0x95: {  	s3 =	sld [smem:$0x3FFD];
	_ =	sdelay $0x3  }
0x96: {  	_ =	strace s3  }
0x97: {  	_ =	strace $0x8FFFFFFF  }
0x98: {  	s19 =	sld [smem:$0x3FDB];
	_ =	sdelay $0x1  }
0x99: {  	s4 =	simm.s32 $_scs_section_size  }
0x9a: {  	s5 =	simm.s32 $_size__tile_overlayer_lowered;
	s6 =	simm.s32 $_tile_overlayer_lowered  }
0x9b: {  	s22 =	simm.s32 $0x1BFF;
	s21 =	sshll.u32 s6, $0x1;
	s3 =	sadd.s32 s4, s19  }
0x9c: {  	s7 =	simm.s32 $0x0;
	s20 =	sshll.u32 s5, $0x1;
	s5 =	sadd.s32 s21, s3  }
0x9d: {  	[timem:s7], [sflag:s22] =	dma.local [hbm:s5], s20  }
0x9e: {  	_ =	swait.ge [sflag:s22], s20  }
0x9f: {  	s4 =	ssub.s32 $0x0, s20;
	[sflag:s22] =	ssyncset.done $0x0  }
0xa0: {  	[sflag:s22] =	ssyncadd.s32 s4;
	_ =	sdelay $0x1  }
0xa1: {  	s23 =	simm.s32 $0x1B8B  }
0xa2: {  	_ =	swait.ge [sflag:s23], $0x1  }
0xa3: {  	[sflag:s23] =	ssyncset.done $0x0  }
0xa4: {  	s25 =	simm.s32 $0x1B8E;
	s24 =	sld [smem:$0x3FFE];
	[sflag:s23] =	ssyncadd.s32 $0xFFFFFFFF  }
0xa5: {  	s26 =	simm.s32 $execute0_lowered;
	[smem:$0x3FD2] =	sst s25  }
0xa6: {  	s5 =	sshll.u32 s26, $0x1;
	_ =	strace $0x8000004C;
	[dreg:$0x1] =	wrdreg $0xFFFFFFFF  }
0xa7: {  	s28 =	simm.s32 $_size_execute0_lowered;
	s3 =	sadd.s32 s3, s5;
	[dreg:$0x0] =	wrdreg $0x0  }
0xa8: {  	s5 =	sshll.u32 s28, $0x1;
	[dreg:$0x2] =	wrdreg s3  }
0xa9: {  	[dreg:$0x3] =	wrdreg s5  }
0xaa: {  	[dreg:$0x4] =	wrdreg $0xC0  }
0xab: {  	_ =	task [dreg:s7], $0x5FFFF  }
0xac: {  	[dreg:$0x1] =	wrdreg $0xFFFFFFFF  }
0xad: {  	[dreg:$0x0] =	wrdreg $0x60  }
0xae: {  	[dreg:$0x2] =	wrdreg s2  }
0xaf: {  	[dreg:$0x3] =	wrdreg s24  }
0xb0: {  	[dreg:$0x4] =	wrdreg $0xA0000  }
0xb1: {  	[dreg:$0x5] =	wrdreg $0x9  }
0xb2: {  	_ =	task.clear_ibuf [dreg:s7], $0x6FFFF;
	_ =	strace $0x9000004C  }
0xb3: {  	s29 =	simm.s32 $0x9;
	_ =	strace $0x8000004E  }
0xb4: {  	_ =	swait.ge [sflag:s29], $0x1  }
0xb5: {  	[sflag:s29] =	ssyncadd.s32 $0xFFFFFFFF  }
0xb6: {  	_ =	strace $0x9000004E  }
0xb7: {  	_ =	sfence  }
0xb8: {  	s30 =	sld [smem:$0x0];
	_ =	sdelay $0x2  }
0xb9: {  	s31 =	sshll.u32 s1, $0xD;
	s1 =	sshrl.u32 s1, $0x2  }
0xba: {  	s3 =	sand.u32 $0x4000, s31;
	s1 =	sadd.s32 s1, s30  }
0xbb: {  	s0 =	sor.u32 s3, s0;
	s1 =	sshll.u32 s1, $0x11  }
0xbc: {  	s0 =	sor.u32 s1, s0  }
0xbd: {  	s0 =	sadd.s32 $0x8F2B, s0  }
0xbe: {  	[sflag:s0] =	ssyncadd.remote.s32 $0x1  }
0xbf: {  	_ =	sfence.sel $0xFFFF  }
0xc0: {  	[dreg:$0x0] =	wrdreg $0xFFFFFFFF;
	(pc) =	sbr.abs _section_cstart, $3  }
0xc1: {  	[dreg:$0x1] =	wrdreg $0xFFFFFFFF  }
0xc2: {  	_ =	task.clear_ibuf [dreg:s7], $0x2FFFF;
	_ =	strace $0x9FFFFFFF  }
0xc3: {  	(tm) =	ssettm $0x7FFFFFFF  }
tec
execute0_lowered:
.L_overlay_start_1:
0x0: {  	(tag) =	ssettag $0x1  }
0x1: {  	s1 =	rddreg [dreg:$0x0]  }
0x2: {  	s8 =	rddreg [dreg:$0x1]  }
0x3: {  	s0 =	srdreg.scid;
	s3 =	rddreg [dreg:$0x2];
	s4 =	simm.s32 $0x0  }
0x4: {  	s15 =	simm.s32 $0x5000;
	s16 =	simm.s32 $0x0;
	s6 =	sand.u32 $0x1, s0  }
0x5: {  	s0 =	stileid.u32;
	[smem:$0x7FF] =	sst s4;
	s2 =	sshll.u32 s6, $0x4  }
0x6: {  	s7 =	ssub.s32 $0x2, s6;
	s9 =	smul.u32 $0x50000, s0;
	p0 =	seq.s32 s6, $0x1  }
0x7: {  	s31 =	sshll.u32 s0, $0x6;
	s13 =	smul.u32 $0x2800, s0;
	s5 =	sor.u32 s0, s2  }
0x8: {  	s2 =	rddreg [dreg:$0x3];
	_ =	strace $0x8000004D;
	s11 =	sshrl.u32 s7, $0x1  }
0x9: {  	s6 =	sor.u32 $0x1C01, s31;
	s5 =	smul.u32 $0x500, s5;
	s30 =	sshrl.u32 s9, $0x2  }
0xa: {  	s11 =	ssub.s32 s7, s11;
	s9 =	simm.s32 $0x41800;
	s12 =	sadd.s32 s30, s3  }
0xb: {  	s9 =	simm.s32 @!p0 $0x19800;
	s10 =	sadd.s32 s5, s8;
	s5 =	sadd.s32 $0x17000, s8  }
0xc: {  	s14 =	sadd.s32 s9, s8;
	s9 =	smax.u32 s11, $0x1;
	s11 =	sshrl.u32 s12, $0x3  }
0xd: {  	s12 =	simm.s32 $0x1;
	s7 =	sadd.s32 $0xD000, s10;
	s8 =	sadd.s32 $0x2C00, s10  }
0xe: {  	s10 =	sadd.s32 s14, s13;
	s13 =	simm.s32 $0x2800;
	s14 =	simm.s32 $0xA0  }
.LBB2_1:
0xf: {  	[spmem:s11], [sflag:s6] =	dma.local [hbm:s5], $0x2800  }
0x10: {  	_ =	swait.ge [sflag:s12], $0x2800  }
0x11: {  	[sflag:s12] =	ssyncset.done $0x0  }
0x12: {  	[sflag:s12] =	ssyncadd.s32 $0xFFFFD800  }
0x13: {  	[tilespmem:s4], [sflag:$0x1] =	stream.linear.gather [hbm4b:s7+s4], $0x2800, $0x38;
	[tilespmem:$0x1E000] =	vst v63  }
0x14: {  	_ =	swait.ge [sflag:s12], $0x2800  }
0x15: {  	[sflag:s12] =	ssyncset.done $0x0  }
0x16: {  	[sflag:s12] =	ssyncadd.s32 $0xFFFFD800  }
0x17: {  	[tilespmem:s13], [sflag:$0x1] =	stream.linear.gather [hbm4b:s8+s4], $0x2800, $0x38;
	[tilespmem:$0x1E000] =	vst v63  }
0x18: {  	_ =	swait.ge [sflag:s12], $0x2800  }
0x19: {  	[sflag:s12] =	ssyncset.done $0x0  }
0x1a: {  	[sflag:s12] =	ssyncadd.s32 $0xFFFFD800  }
0x1b: {  	s17 =	simm.s32 $0x0;
	[bflag:$0x0] =	sbarrier.arrive $0xFFFF  }
0x1c: {  	[tilespmem:s15], [sflag:$0x1] =	stream.indirect.gather [hbm4b:s1+s14], $0x80, s17, s14, $0xb8;
	[tilespmem:$0x1E000] =	vst v63  }
0x1d: {  	_ =	swait.ge [sflag:s12], $0x5000  }
0x1e: {  	[sflag:s12] =	ssyncset.done $0x0  }
0x1f: {  	s31 =	simm.s32 $0x2800;
	[sflag:s12] =	ssyncadd.s32 $0xFFFFB000  }
0x20: {  	[spmem:s3] =	stream.indirect.scatter.add.f32 [tilespmem:s15], [sflag:$0x1], $0x80, s31, s14, $0xb8;
	[tilespmem:$0x1E000] =	vst v63  }
0x21: {  	_ =	swait.ge [sflag:s12], $0x5000  }
0x22: {  	s18 =	simm.s32 $0x500;
	s17 =	simm.s32 $0x280;
	[sflag:s12] =	ssyncset.done $0x0  }
.LBB2_2:
0x23: {  	s19 =	sshra.s32 s17, $0x2  }
0x24: {  	[sflag:s12] =	ssyncadd.s32 $0xFFFFB000;
	s17 =	smov.u32 s18;
	s20 =	sadd.s32 $0x280, s18  }
0x25: {  	[tilespmem:s15], [sflag:$0x1] =	stream.indirect.gather [hbm4b:s1+s14], $0x80, s19, s14, $0xb8;
	[tilespmem:$0x1E000] =	vst v63  }
0x26: {  	p0 =	sne.s32 s18, $0x9D80;
	_ =	swait.ge [sflag:s12], $0x5000  }
.Ltmp0:
0x27: {  	[sflag:s12] =	ssyncset.done $0x0;
	(pc) =	sbr.rel @p0 .LBB2_2-.Ltmp0, $4  }
0x28: {  	s18 =	sadd.s32 $0x2800, s19;
	[sflag:s12] =	ssyncadd.s32 $0xFFFFB000  }
0x29: {  	[spmem:s3] =	stream.indirect.scatter.add.f32 [tilespmem:s15], [sflag:$0x1], $0x80, s18, s14, $0xb8;
	[tilespmem:$0x1E000] =	vst v63  }
0x2a: {  	_ =	swait.ge [sflag:s12], $0x5000  }
0x2b: {  	s18 =	smov.u32 s20;
	[sflag:s12] =	ssyncset.done $0x0  }
0x2c: {  	s17 =	sshra.s32 s17, $0x2;
	[sflag:s12] =	ssyncadd.s32 $0xFFFFB000  }
0x2d: {  	[tilespmem:s15], [sflag:$0x1] =	stream.indirect.gather [hbm4b:s1+s14], $0x80, s17, s14, $0xb8;
	[tilespmem:$0x1E000] =	vst v63  }
0x2e: {  	_ =	swait.ge [sflag:s12], $0x5000  }
0x2f: {  	[sflag:s12] =	ssyncset.done $0x0  }
0x30: {  	s17 =	sadd.s32 $0x2800, s17;
	[sflag:s12] =	ssyncadd.s32 $0xFFFFB000  }
0x31: {  	[spmem:s3] =	stream.indirect.scatter.add.f32 [tilespmem:s15], [sflag:$0x1], $0x80, s17, s14, $0xb8;
	[tilespmem:$0x1E000] =	vst v63  }
0x32: {  	_ =	swait.ge [sflag:s12], $0x5000  }
0x33: {  	s16 =	sadd.s32 $0x1, s16;
	[sflag:s12] =	ssyncset.done $0x0  }
0x34: {  	p0 =	sne.s32 s16, s9;
	[sflag:s12] =	ssyncadd.s32 $0xFFFFB000  }
.Ltmp1:
0x35: {  	[bflag:$0x0] =	sbarrier.arrive $0xFFFF;
	(pc) =	sbr.rel @p0 .LBB2_1-.Ltmp1, $4  }
0x36: {  	[hbm:s10], [sflag:s6] =	dma.local [spmem:s11], $0x2800  }
0x37: {  	_ =	swait.ge [sflag:s12], $0x2800  }
0x38: {  	[sflag:s12] =	ssyncset.done $0x0  }
0x39: {  	[sflag:s12] =	ssyncadd.s32 $0xFFFFD800  }
0x3a: {  	_ =	sfence.sel $0x180000  }
0x3b: {  	[bflag:$0x0] =	sbarrier.arrive $0xFFFF  }
0x3c: {  	p0 =	sne.s32 s0, $0x0;
	_ =	strace $0x9000004D  }
0x3d: {  	s0 =	sadd.s32 @!p0 $0x100000, s2;
	[bflag:$0x2] =	sbarrier.arrive $0xFFFF  }
0x3e: {  	[sflag:s0] =	ssyncadd.tile.s32 @!p0 $0x1;
	_ =	shalt  }
.Lfunc_end2:
_tile_overlayer_lowered:
.L_overlay_start_2:
0x3f: {  	(tag) =	ssettag $0x2  }
0x40: {  	s0 =	rddreg [dreg:$0x0];
	s2 =	stileid.u32  }
0x41: {  	s1 =	rddreg [dreg:$0x1];
	p0 =	sne.s32 s2, $0x0  }
0x42: {  	s3 =	rddreg [dreg:$0x2];
	[bflag:$0x3] =	sbarrier.arrive $0xFFFF;
	s2 =	simm.s32 @!p0 $0x1C01  }
0x43: {  	[timem:s3], [sflag:s2] =	dma.local @!p0 [hbm:s0], s1  }
0x44: {  	s0 =	simm.s32 @!p0 $0x1  }
0x45: {  	_ =	swait.ge @!p0 [sflag:s0], s1  }
0x46: {  	s1 =	ssub.s32 @!p0 $0x0, s1;
	[sflag:s0] =	ssyncset.done @!p0 $0x0  }
0x47: {  	[sflag:s0] =	ssyncadd.s32 @!p0 s1  }
0x48: {  	[bflag:$0x3] =	sbarrier.arrive $0xFFFF  }
0x49: {  	_ =	shalt  }

// kernel: kernel.7.cloned.1.call-start
scs
__scs_entry_jumppad:
0x0: {  	(pc) =	sbr.rel $0x88, $3  }
0x1: {  	(tag) =	ssettag $0x0;
	lr =	simm.s32 $0x1  }
0x2: {  	[smem:$0x3F99] =	sst lr;
	_ =	strace $0xD0000000  }
0x3: {  	_ = 	snop  }
0x4: {  	_ = 	snop  }
0x5: {  	_ = 	snop  }
0x6: {  	_ = 	snop  }
0x7: {  	_ = 	snop  }
__scs_overlays_trampoline_lowered:
0x8: {  	[smem:$0x3FA8] =	sst s0  }
0x9: {  	[smem:$0x3FA9] =	sst s1  }
0xa: {  	[smem:$0x3FAA] =	sst s2  }
0xb: {  	[smem:$0x3FAB] =	sst s3  }
0xc: {  	[smem:$0x3FAC] =	sst s4  }
0xd: {  	[smem:$0x3FAD] =	sst s5  }
0xe: {  	[smem:$0x3FAE] =	sst s6  }
0xf: {  	[smem:$0x3FAF] =	sst s7  }
0x10: {  	[smem:$0x3FB0] =	sst s8  }
0x11: {  	[smem:$0x3FB1] =	sst s9;
	s0 =	simm.s32 @!p0 $0x0  }
0x12: {  	s1 =	sld [smem:$0x3F97];
	s0 =	simm.s32 @p0 $0x1  }
0x13: {  	[smem:$0x3FB2] =	sst s0;
	s0 =	simm.s32 @!p1 $0x0  }
0x14: {  	s2 =	sld [smem:$0x3F96];
	s0 =	simm.s32 @p1 $0x1  }
0x15: {  	[smem:$0x3FB3] =	sst s0;
	s0 =	simm.s32 @!p2 $0x0  }
0x16: {  	s3 =	sld [smem:$0x3FDB];
	s0 =	simm.s32 @p2 $0x1  }
0x17: {  	s4 =	simm.s32 $0x1BF5;
	[smem:$0x3FB5] =	sst s0  }
0x18: {  	s0 =	sld [smem:$0x3F98];
	_ =	swait.ge [sflag:s4], $0x0  }
0x19: {  	s7 =	sld [smem:$0x3F99]  }
0x1a: {  	s8 =	sadd.s32 $0xFFFFE003, lr  }
0x1b: {  	s9 =	sadd.s32 $0xFFFFFEF7, lr;
	s5 =	simm.s32 $0xFFFFFFFF;
	p2 =	slt.u32 s8, $0xFFFFF086  }
0x1c: {  	p1 =	slt.u32 s9, $0xF7A;
	s5 =	simm.s32 @!p2 $0x0  }
0x1d: {  	s5 =	simm.s32 @p1 $0x1;
	p0 =	seq.s32 s7, s2  }
0x1e: {  	s7 =	smul.u32 @!p0 $0xF7A, s2;
	p2 =	seq.s32 @!p0 s5, $0x0  }
0x1f: {  	s9 =	smul.u32 $0xF7A, s1;
	s8 =	simm.s32 @!p0 $0x1BF5;
	p2 =	por !p2, p0  }
0x20: {  	[sflag:s8] =	ssyncset.s32 @!p0 $0xFFFFF086;
	s6 =	sadd.s32 @!p0 s3, s7;
	s7 =	simm.s32 @!p0 $0x108  }
0x21: {  	s3 =	sadd.s32 s3, s9;
	s6 =	sadd.s32 @!p0 $0x88, s6;
	s7 =	simm.s32 @p2 $0x1082  }
0x22: {  	[simem:s7], [sflag:s8] =	dma.local @!p0 [hbm:s6], $0xF7A  }
0x23: {  	s9 =	sor.u32 $0xD0000000, s2;
	s6 =	simm.s32 $0x108;
	_ =	swait.ge @!p0 [sflag:s8], $0x0  }
0x24: {  	s3 =	sadd.s32 $0x88, s3;
	s6 =	simm.s32 @!p1 $0x1082;
	[sflag:s4] =	ssyncset.s32 $0xFFFFF086  }
0x25: {  	[simem:s6], [sflag:s4] =	dma.local [hbm:s3], $0xF7A  }
0x26: {  	[smem:$0x3F99] =	sst s1;
	(tag) =	ssettag s2;
	_ =	strace s9  }
0x27: {  	s1 =	sld [smem:$0x3FA9]  }
0x28: {  	s2 =	sld [smem:$0x3FAA]  }
0x29: {  	s4 =	sld [smem:$0x3FAC]  }
0x2a: {  	p0 =	seq.s32 s5, $0x0;
	s5 =	sld [smem:$0x3FAD]  }
0x2b: {  	s6 =	sld [smem:$0x3FAE]  }
0x2c: {  	s7 =	sld [smem:$0x3FAF]  }
0x2d: {  	s3 =	simm.s32 $0x108;
	s8 =	sld [smem:$0x3FB0]  }
0x2e: {  	s3 =	simm.s32 @!p0 $0x1082;
	s9 =	sld [smem:$0x3FB1]  }
0x2f: {  	lr =	sadd.s32 s0, s3;
	s0 =	sld [smem:$0x3FA8]  }
0x30: {  	s3 =	sld [smem:$0x3FAB]  }
0x31: {  	[smem:$0x3FB4] =	sst s10  }
0x32: {  	s10 =	sld [smem:$0x3FB2];
	_ =	sdelay $0x3  }
0x33: {  	p0 =	seq.s32 s10, $0x1;
	s10 =	sld [smem:$0x3FB4];
	_ =	sdelay $0x3  }
0x34: {  	[smem:$0x3FB4] =	sst s10  }
0x35: {  	s10 =	sld [smem:$0x3FB3];
	_ =	sdelay $0x3  }
0x36: {  	p1 =	seq.s32 s10, $0x1;
	s10 =	sld [smem:$0x3FB4];
	_ =	sdelay $0x3  }
0x37: {  	[smem:$0x3FB4] =	sst s10  }
0x38: {  	s10 =	sld [smem:$0x3FB5]  }
0x39: {  	_ = 	snop;
	(pc) =	sbr.ind lr, $3  }
0x3a: {  	_ = 	snop  }
0x3b: {  	_ = 	snop  }
0x3c: {  	p2 =	seq.s32 s10, $0x1;
	s10 =	sld [smem:$0x3FB4]  }
0x3d: {  	_ =	shalt  }
0x3e: {  	_ =	shalt  }
0x3f: {  	_ =	shalt  }
0x40: {  	_ =	shalt  }
0x41: {  	_ =	shalt  }
0x42: {  	_ =	shalt  }
0x43: {  	_ =	shalt  }
0x44: {  	_ =	shalt  }
0x45: {  	_ =	shalt  }
0x46: {  	_ =	shalt  }
0x47: {  	_ =	shalt  }
0x48: {  	_ =	shalt  }
0x49: {  	_ =	shalt  }
0x4a: {  	_ =	shalt  }
0x4b: {  	_ =	shalt  }
0x4c: {  	_ =	shalt  }
0x4d: {  	_ =	shalt  }
0x4e: {  	_ =	shalt  }
0x4f: {  	_ =	shalt  }
0x50: {  	_ =	shalt  }
0x51: {  	_ =	shalt  }
0x52: {  	_ =	shalt  }
0x53: {  	_ =	shalt  }
0x54: {  	_ =	shalt  }
0x55: {  	_ =	shalt  }
0x56: {  	_ =	shalt  }
0x57: {  	_ =	shalt  }
0x58: {  	_ =	shalt  }
0x59: {  	_ =	shalt  }
0x5a: {  	_ =	shalt  }
0x5b: {  	_ =	shalt  }
0x5c: {  	_ =	shalt  }
0x5d: {  	_ =	shalt  }
0x5e: {  	_ =	shalt  }
0x5f: {  	_ =	shalt  }
0x60: {  	_ =	shalt  }
0x61: {  	_ =	shalt  }
0x62: {  	_ =	shalt  }
0x63: {  	_ =	shalt  }
0x64: {  	_ =	shalt  }
0x65: {  	_ =	shalt  }
0x66: {  	_ =	shalt  }
0x67: {  	_ =	shalt  }
0x68: {  	_ =	shalt  }
0x69: {  	_ =	shalt  }
0x6a: {  	_ =	shalt  }
0x6b: {  	_ =	shalt  }
0x6c: {  	_ =	shalt  }
0x6d: {  	_ =	shalt  }
0x6e: {  	_ =	shalt  }
0x6f: {  	_ =	shalt  }
0x70: {  	_ =	shalt  }
0x71: {  	_ =	shalt  }
0x72: {  	_ =	shalt  }
0x73: {  	_ =	shalt  }
0x74: {  	_ =	shalt  }
0x75: {  	_ =	shalt  }
0x76: {  	_ =	shalt  }
0x77: {  	_ =	shalt  }
0x78: {  	_ =	shalt  }
0x79: {  	_ =	shalt  }
0x7a: {  	_ =	shalt  }
0x7b: {  	_ =	shalt  }
0x7c: {  	_ =	shalt  }
0x7d: {  	_ =	shalt  }
0x7e: {  	_ =	shalt  }
0x7f: {  	_ =	shalt  }
0x80: {  	_ =	shalt  }
0x81: {  	_ =	shalt  }
0x82: {  	_ =	shalt  }
0x83: {  	_ =	shalt  }
0x84: {  	_ =	shalt  }
0x85: {  	_ =	shalt  }
0x86: {  	_ =	shalt  }
0x87: {  	_ =	shalt  }
.Lfunc_end0:
.L_simem_size_0:
called_computation_lowered:
.L_overlay_start_0:
0x88: {  	s2 =	sld [smem:$0x3FD9]  }
0x89: {  	s3 =	sld [smem:$0x3FFE];
	_ =	sdelay $0x1  }
0x8a: {  	s1 =	srdreg.scid  }
0x8b: {  	s0 =	sand.u32 $0x1, s1  }
0x8c: {  	s17 =	sshll.u32 s0, $0xA;
	s2 =	sadd.s32 s3, s2  }
0x8d: {  	s2 =	sadd.s32 s2, s17  }
0x8e: {  	[smem:$0x3FC0] =	sst s2  }
0x8f: {  	_ = 	snop  }
0x90: {  	s2 =	sld [smem:$0x3FD0];
	(tm) =	ssettm $0x1  }
0x91: {  	s18 =	sld [smem:$0x3FFB];
	_ =	sdelay $0x3  }
0x92: {  	_ =	strace s18  }
0x93: {  	s3 =	sld [smem:$0x3FFC];
	_ =	sdelay $0x3  }
0x94: {  	_ =	strace s3  }
0x95: {  	s3 =	sld [smem:$0x3FFD];
	_ =	sdelay $0x3  }
0x96: {  	_ =	strace s3  }
0x97: {  	_ =	strace $0x8FFFFFFF  }
0x98: {  	s19 =	sld [smem:$0x3FDB];
	_ =	sdelay $0x1  }
0x99: {  	s4 =	simm.s32 $_scs_section_size  }
0x9a: {  	s5 =	simm.s32 $_size__tile_overlayer_lowered;
	s6 =	simm.s32 $_tile_overlayer_lowered  }
0x9b: {  	s22 =	simm.s32 $0x1BFF;
	s21 =	sshll.u32 s6, $0x1;
	s3 =	sadd.s32 s4, s19  }
0x9c: {  	s7 =	simm.s32 $0x0;
	s20 =	sshll.u32 s5, $0x1;
	s5 =	sadd.s32 s21, s3  }
0x9d: {  	[timem:s7], [sflag:s22] =	dma.local [hbm:s5], s20  }
0x9e: {  	_ =	swait.ge [sflag:s22], s20  }
0x9f: {  	s4 =	ssub.s32 $0x0, s20;
	[sflag:s22] =	ssyncset.done $0x0  }
0xa0: {  	[sflag:s22] =	ssyncadd.s32 s4;
	_ =	sdelay $0x1  }
0xa1: {  	s23 =	simm.s32 $0x1B8B  }
0xa2: {  	_ =	swait.ge [sflag:s23], $0x1  }
0xa3: {  	[sflag:s23] =	ssyncset.done $0x0  }
0xa4: {  	s25 =	simm.s32 $0x1B8E;
	s24 =	sld [smem:$0x3FFE];
	[sflag:s23] =	ssyncadd.s32 $0xFFFFFFFF  }
0xa5: {  	s26 =	simm.s32 $execute0_lowered;
	[smem:$0x3FD2] =	sst s25  }
0xa6: {  	s5 =	sshll.u32 s26, $0x1;
	_ =	strace $0x80000046;
	[dreg:$0x1] =	wrdreg $0xFFFFFFFF  }
0xa7: {  	s28 =	simm.s32 $_size_execute0_lowered;
	s3 =	sadd.s32 s3, s5;
	[dreg:$0x0] =	wrdreg $0x0  }
0xa8: {  	s5 =	sshll.u32 s28, $0x1;
	[dreg:$0x2] =	wrdreg s3  }
0xa9: {  	[dreg:$0x3] =	wrdreg s5  }
0xaa: {  	[dreg:$0x4] =	wrdreg $0xC0  }
0xab: {  	_ =	task [dreg:s7], $0x5FFFF  }
0xac: {  	[dreg:$0x1] =	wrdreg $0xFFFFFFFF  }
0xad: {  	[dreg:$0x0] =	wrdreg $0x60  }
0xae: {  	[dreg:$0x2] =	wrdreg s24  }
0xaf: {  	[dreg:$0x3] =	wrdreg s2  }
0xb0: {  	[dreg:$0x4] =	wrdreg $0x28800  }
0xb1: {  	[dreg:$0x5] =	wrdreg $0x9  }
0xb2: {  	_ =	task.clear_ibuf [dreg:s7], $0x6FFFF;
	_ =	strace $0x90000046  }
0xb3: {  	s29 =	simm.s32 $0x9;
	_ =	strace $0x80000048  }
0xb4: {  	_ =	swait.ge [sflag:s29], $0x1  }
0xb5: {  	[sflag:s29] =	ssyncadd.s32 $0xFFFFFFFF  }
0xb6: {  	_ =	strace $0x90000048  }
0xb7: {  	_ =	sfence  }
0xb8: {  	s30 =	sld [smem:$0x0];
	_ =	sdelay $0x2  }
0xb9: {  	s31 =	sshll.u32 s1, $0xD;
	s1 =	sshrl.u32 s1, $0x2  }
0xba: {  	s3 =	sand.u32 $0x4000, s31;
	s1 =	sadd.s32 s1, s30  }
0xbb: {  	s0 =	sor.u32 s3, s0;
	s1 =	sshll.u32 s1, $0x11  }
0xbc: {  	s0 =	sor.u32 s1, s0  }
0xbd: {  	s0 =	sadd.s32 $0x8F2B, s0  }
0xbe: {  	[sflag:s0] =	ssyncadd.remote.s32 $0x1  }
0xbf: {  	_ =	sfence.sel $0xFFFF  }
0xc0: {  	[dreg:$0x0] =	wrdreg $0xFFFFFFFF;
	(pc) =	sbr.abs _section_cstart, $3  }
0xc1: {  	[dreg:$0x1] =	wrdreg $0xFFFFFFFF  }
0xc2: {  	_ =	task.clear_ibuf [dreg:s7], $0x2FFFF;
	_ =	strace $0x9FFFFFFF  }
0xc3: {  	(tm) =	ssettm $0x7FFFFFFF  }
tec
execute0_lowered:
.L_overlay_start_1:
0x0: {  	(tag) =	ssettag $0x1  }
0x1: {  	s5 =	rddreg [dreg:$0x0]  }
0x2: {  	s8 =	rddreg [dreg:$0x1]  }
0x3: {  	s0 =	srdreg.scid;
	s2 =	rddreg [dreg:$0x2];
	s3 =	simm.s32 $0x0  }
0x4: {  	s13 =	simm.s32 $0x80;
	s14 =	simm.s32 $0x20;
	s15 =	simm.s32 $0x10  }
0x5: {  	s16 =	simm.s32 $0x0;
	s6 =	sand.u32 $0x1, s0;
	s0 =	stileid.u32  }
0x6: {  	[smem:$0x7FF] =	sst s3;
	s1 =	sshll.u32 s6, $0x4;
	s10 =	smul.u32 $0xA00, s0  }
0x7: {  	s9 =	ssub.s32 $0x2, s6;
	s12 =	smul.u32 $0x500, s0;
	s6 =	sshll.u32 s6, $0x7  }
0x8: {  	s30 =	sshll.u32 s0, $0x6;
	s4 =	sor.u32 s0, s1;
	s1 =	rddreg [dreg:$0x3]  }
0x9: {  	_ =	strace $0x80000047;
	s11 =	sshrl.u32 s9, $0x1;
	s4 =	smul.u32 $0x500, s4  }
0xa: {  	s9 =	ssub.s32 s9, s11;
	s10 =	sshrl.u32 s10, $0x2;
	s12 =	sor.u32 s6, s12  }
0xb: {  	s6 =	sor.u32 $0x1C01, s30;
	s11 =	simm.s32 $0x1;
	s10 =	sadd.s32 s10, s2  }
0xc: {  	s31 =	sshrl.u32 s12, $0x3;
	s9 =	smax.u32 s9, $0x1;
	s12 =	simm.s32 $0x2800  }
0xd: {  	s7 =	sadd.s32 s4, s5;
	s4 =	sadd.s32 $0xCE00, s5;
	s5 =	sadd.s32 $0xCC00, s5  }
0xe: {  	s8 =	sadd.s32 s8, s31;
	s10 =	sshrl.u32 s10, $0x3;
	s7 =	sadd.s32 $0x2C00, s7  }
.LBB2_1:
0xf: {  	[spmem:s10], [sflag:s6] =	dma.local [hbm:s4], $0x50  }
0x10: {  	_ =	swait.ge [sflag:s11], $0x50  }
0x11: {  	[sflag:s11] =	ssyncset.done $0x0  }
0x12: {  	[sflag:s11] =	ssyncadd.s32 $0xFFFFFFB0  }
0x13: {  	[tilespmem:s12], [sflag:$0x1] =	stream.linear.gather [hbm4b:s5+s3], $0x80, $0x38;
	[tilespmem:$0x2B00] =	vst v63  }
0x14: {  	_ =	swait.ge [sflag:s11], $0x80  }
0x15: {  	[sflag:s11] =	ssyncset.done $0x0  }
0x16: {  	[sflag:s11] =	ssyncadd.s32 $0xFFFFFF80  }
0x17: {  	[tilespmem:s3], [sflag:$0x1] =	stream.linear.gather [hbm4b:s7+s3], $0x2800, $0x38;
	[tilespmem:$0x2B00] =	vst v63  }
0x18: {  	_ =	swait.ge [sflag:s11], $0x2800  }
0x19: {  	[sflag:s11] =	ssyncset.done $0x0  }
0x1a: {  	[sflag:s11] =	ssyncadd.s32 $0xFFFFD800  }
0x1b: {  	s17 =	simm.s32 $0x0;
	[bflag:$0x0] =	sbarrier.arrive $0xFFFF  }
0x1c: {  	[spmem:s2] =	stream.indirect.scatter.add.f32 [tilespmem:s12], [sflag:$0x1], $0x1, s17, s13, $0xb8;
	[tilespmem:$0x2B00] =	vst v63  }
0x1d: {  	_ =	swait.ge [sflag:s11], $0x80  }
0x1e: {  	s17 =	simm.s32 $0x200;
	[sflag:s11] =	ssyncset.done $0x0  }
.LBB2_2:
0x1f: {  	s18 =	sshra.s32 s17, $0x2;
	[sflag:s11] =	ssyncadd.s32 $0xFFFFFF80;
	p0 =	sne.s32 s17, $0x9E00  }
0x20: {  	[spmem:s2] =	stream.indirect.scatter.add.f32 [tilespmem:s12], [sflag:$0x1], $0x1, s18, s13, $0xb8;
	[tilespmem:$0x2B00] =	vst v63  }
.Ltmp0:
0x21: {  	_ = 	snop;
	(pc) =	sbr.rel @p0 .LBB2_2-.Ltmp0, $4  }
0x22: {  	_ = 	snop  }
0x23: {  	s17 =	sadd.s32 $0x200, s17  }
0x24: {  	_ =	swait.ge [sflag:s11], $0x80  }
0x25: {  	[sflag:s11] =	ssyncset.done $0x0  }
0x26: {  	s16 =	sadd.s32 $0x1, s16  }
0x27: {  	[sflag:s11] =	ssyncadd.s32 $0xFFFFFF80;
	p0 =	sne.s32 s16, s9  }
.Ltmp1:
0x28: {  	[bflag:$0x0] =	sbarrier.arrive $0xFFFF;
	(pc) =	sbr.rel @p0 .LBB2_1-.Ltmp1, $4  }
0x29: {  	[hbm:s8@s14], [sflag:s6] =	dma.strided [spmem:s10@s15], $0x50, s11, $0x10   }
0x2a: {  	_ =	swait.ge [sflag:s11], $0x50  }
0x2b: {  	[sflag:s11] =	ssyncset.done $0x0  }
0x2c: {  	[sflag:s11] =	ssyncadd.s32 $0xFFFFFFB0  }
0x2d: {  	_ =	sfence.sel $0x180000  }
0x2e: {  	[bflag:$0x0] =	sbarrier.arrive $0xFFFF  }
0x2f: {  	p0 =	sne.s32 s0, $0x0;
	_ =	strace $0x90000047  }
0x30: {  	s0 =	sadd.s32 @!p0 $0x100000, s1;
	[bflag:$0x2] =	sbarrier.arrive $0xFFFF  }
0x31: {  	[sflag:s0] =	ssyncadd.tile.s32 @!p0 $0x1;
	_ =	shalt  }
.Lfunc_end2:
_tile_overlayer_lowered:
.L_overlay_start_2:
0x32: {  	(tag) =	ssettag $0x2  }
0x33: {  	s0 =	rddreg [dreg:$0x0];
	s2 =	stileid.u32  }
0x34: {  	s1 =	rddreg [dreg:$0x1];
	p0 =	sne.s32 s2, $0x0  }
0x35: {  	s3 =	rddreg [dreg:$0x2];
	[bflag:$0x3] =	sbarrier.arrive $0xFFFF;
	s2 =	simm.s32 @!p0 $0x1C01  }
0x36: {  	[timem:s3], [sflag:s2] =	dma.local @!p0 [hbm:s0], s1  }
0x37: {  	s0 =	simm.s32 @!p0 $0x1  }
0x38: {  	_ =	swait.ge @!p0 [sflag:s0], s1  }
0x39: {  	s1 =	ssub.s32 @!p0 $0x0, s1;
	[sflag:s0] =	ssyncset.done @!p0 $0x0  }
0x3a: {  	[sflag:s0] =	ssyncadd.s32 @!p0 s1  }
0x3b: {  	[bflag:$0x3] =	sbarrier.arrive $0xFFFF  }
0x3c: {  	_ =	shalt  }

</sc_bundles>
